<compile_context>
chip_gen: v7x
topology: tpu7x:2x2x1
jax: 0.10.2.dev20260603
libtpu: 0.0.44.dev20260713+nightly
codegen_flags: <defaults>
</compile_context>

<pallas_src>
import functools

import jax
import jax.numpy as jnp
from jax import lax
from jax.experimental import pallas as pl
from jax.experimental.pallas import tpu as pltpu
from jax.experimental.pallas import tpu_sc as plsc

EMB = 64
BATCH = 4096
SEQ = 200
NW = 32
D = 524288
COLS = 4096


def _tc_retile(table_t):

    def body(a_ref, b_ref, out_ref):
        x = jnp.concatenate([a_ref[...], b_ref[...]], axis=0)
        out_ref[...] = jnp.transpose(x, (1, 0))

    return pl.pallas_call(
        body,
        grid=(D // COLS,),
        in_specs=[pl.BlockSpec((64, COLS), lambda i: (0, i)),
                  pl.BlockSpec((64, COLS),
                               lambda i: (0, jnp.minimum(i + D // COLS,
                                                         999999 // COLS)))],
        out_specs=pl.BlockSpec((COLS, 128), lambda i: (i, 0)),
        out_shape=jax.ShapeDtypeStruct((D, 128), jnp.float32),
        compiler_params=pltpu.CompilerParams(
            dimension_semantics=("arbitrary",)),
    )(table_t, table_t)


def _sc_gather(tbl_rm, tok4):
    mesh = plsc.VectorSubcoreMesh(core_axis_name="c", subcore_axis_name="s")

    @functools.partial(
        pl.kernel,
        out_type=jax.ShapeDtypeStruct((SEQ, 8, NW, 8, 128), jnp.float32),
        mesh=mesh,
        scratch_types=[
            pltpu.VMEM((25, 8, 128), jnp.int32),
            [pltpu.VMEM((128, EMB), jnp.float32) for _ in range(4)],
            [pltpu.VMEM((128,), jnp.int32) for _ in range(4)],
            [pltpu.VMEM((8, 8, 128), jnp.float32) for _ in range(2)],
            [pltpu.SemaphoreType.DMA for _ in range(4)],
            [pltpu.SemaphoreType.DMA for _ in range(2)],
        ],
        compiler_params=pltpu.CompilerParams(use_tc_tiling_on_sc=False,
                                             needs_layout_passes=False),
    )
    def k(tbl_hbm, tok_hbm, out_hbm, toks, buf, qbuf, obuf, gsem, wsem):
        wid = lax.axis_index("s") * 2 + lax.axis_index("c")
        iota = lax.iota(jnp.int32, 16)
        rowv = [16 * j + iota for j in range(8)]

        pltpu.sync_copy(tok_hbm.at[:, wid], toks)

        def gather_start(kk, b):
            for j in range(8):
                t16 = toks[kk >> 3, kk & 7, pl.ds(16 * j, 16)]
                qbuf[b][pl.ds(16 * j, 16)] = (
                    ((t16 & (D - 1)) << 1) | (t16 >> 19))
            pltpu.async_copy(tbl_hbm.at[qbuf[b]], buf[b], gsem[b])

        def gather_wait(b):
            pltpu.make_async_copy(tbl_hbm.at[qbuf[b]], buf[b],
                                  gsem[b]).wait()

        def write_start(kk, ob):
            pltpu.async_copy(obuf[ob], out_hbm.at[kk, :, wid], wsem[ob])

        def write_wait(kk, ob):
            pltpu.make_async_copy(obuf[ob], out_hbm.at[kk, :, wid],
                                  wsem[ob]).wait()

        def compute(b, ob):
            @functools.partial(plsc.parallel_loop, 0, EMB, unroll=4)
            def _(e):
                ev = jnp.zeros((16,), jnp.int32) + e
                for j in range(8):
                    v = plsc.load_gather(buf[b], [rowv[j], ev])
                    obuf[ob][e >> 3, e & 7, pl.ds(16 * j, 16)] = v

        for kk in range(4):
            gather_start(kk, kk)

        def body(i, carry):
            for j4 in range(4):
                kk = 4 * i + j4

                @pl.when(kk >= 2)
                def _():
                    write_wait(kk - 2, j4 % 2)

                gather_wait(j4)
                compute(j4, j4 % 2)
                write_start(kk, j4 % 2)
                gather_start(kk + 4, j4)
            return carry

        lax.fori_loop(0, 49, body, 0)
        for j4 in range(4):
            kk = 196 + j4
            write_wait(kk - 2, j4 % 2)
            gather_wait(j4)
            compute(j4, j4 % 2)
            write_start(kk, j4 % 2)
        write_wait(198, 0)
        write_wait(199, 1)

    return k(tbl_rm, tok4)


def kernel(tokens, table):
    tokens_i32 = tokens.astype(jnp.int32)
    table_t = table.T
    tok4 = (tokens_i32.reshape(NW, 128, 25, 8)
            .transpose(2, 0, 3, 1))
    tbl2 = _tc_retile(table_t)
    tbl_rm = tbl2.reshape(2 * D, EMB)
    out5 = _sc_gather(tbl_rm, tok4)
    return (out5.transpose(2, 4, 0, 1, 3)
            .reshape(BATCH, SEQ, EMB))

# --- scband reference (transcript-rebuilt; emitter-appended) ---
"""Pipeline reference for scband-token-embedding-81140522156431 (READ-ONLY COPY).

The authoritative reference and input builder live on the scoring server;
editing this copy changes nothing except your own understanding.
"""

import jax, jax.numpy as jnp
import numpy as np

VOCAB = 1000000
EMB = 64
PAD_IDX = 0

def setup_inputs(seed: int = 0) -> dict:
    key = jax.random.key(seed)
    k_tok, k_tab = jax.random.split(key)
    tokens = jax.random.randint(k_tok, (4096, 200), 0, VOCAB, dtype=jnp.int64 if jax.config.jax_enable_x64 else jnp.int32)
    table = jax.random.normal(k_tab, (VOCAB, EMB), dtype=jnp.float32)
    # nn.Embedding with padding_idx initializes that row to zeros
    table = table.at[PAD_IDX].set(0.0)
    return {"tokens": tokens, "table": table}

def reference(tokens, table):
    # Faithful to TokenEmbedding.forward: plain embedding lookup (no scaling)
    return jnp.take(table, tokens, axis=0)

if __name__ == "__main__":
    import jax
    _d = setup_inputs()
    print(jax.jit(kernel)(*tuple(_d.values())))

</pallas_src>

<mosaic_0001>
#map = affine_map<(d0, d1) -> (0, 0)>
#map1 = affine_map<(d0, d1) -> (0, 0, 0, 0)>
#map2 = affine_map<(d0, d1) -> (0, 0, 0, 0, 0)>
module attributes {stable_mosaic.version = 14 : i64} {
  func.func @k(%arg0: i32, %arg1: i32, %arg2: memref<1048576x64xf32, #tpu.memory_space<hbm>>, %arg3: memref<25x32x8x128xi32, #tpu.memory_space<hbm>>, %arg4: memref<200x8x32x8x128xf32, #tpu.memory_space<hbm>>, %arg5: memref<25x8x128xi32, #tpu.memory_space<vmem>>, %arg6: memref<128x64xf32, #tpu.memory_space<vmem>>, %arg7: memref<128x64xf32, #tpu.memory_space<vmem>>, %arg8: memref<128x64xf32, #tpu.memory_space<vmem>>, %arg9: memref<128x64xf32, #tpu.memory_space<vmem>>, %arg10: memref<128xi32, #tpu.memory_space<vmem>>, %arg11: memref<128xi32, #tpu.memory_space<vmem>>, %arg12: memref<128xi32, #tpu.memory_space<vmem>>, %arg13: memref<128xi32, #tpu.memory_space<vmem>>, %arg14: memref<8x8x128xf32, #tpu.memory_space<vmem>>, %arg15: memref<8x8x128xf32, #tpu.memory_space<vmem>>, %arg16: memref<!tpu.dma_semaphore, #tpu.memory_space<semaphore_mem>>, %arg17: memref<!tpu.dma_semaphore, #tpu.memory_space<semaphore_mem>>, %arg18: memref<!tpu.dma_semaphore, #tpu.memory_space<semaphore_mem>>, %arg19: memref<!tpu.dma_semaphore, #tpu.memory_space<semaphore_mem>>, %arg20: memref<!tpu.dma_semaphore, #tpu.memory_space<semaphore_mem>>, %arg21: memref<!tpu.dma_semaphore, #tpu.memory_space<semaphore_mem>>) attributes {dimension_semantics = [#tpu.dimension_semantics<core_parallel>, #tpu.dimension_semantics<subcore_parallel>], iteration_bounds = array<i64: 2, 16>, scalar_prefetch = 0 : i64, scratch_operands = 17 : i64, tpu.core_type = #tpu.core_type<sc_vector_subcore>, window_params = [{transform_indices = #map}, {transform_indices = #map1}, {transform_indices = #map2}]} {
    %mul3A = arith.constant 2 : i32
    %mul3A_0 = arith.muli %arg1, %mul3A : i32
    %add3A = arith.addi %mul3A_0, %arg0 : i32
    %iota3A = tpu.iota {dimensions = array<i32: 0>} : vector<16xi32>
    %add3A_1 = arith.constant 0 : i32
    %add3A_2 = vector.broadcast %add3A_1 : i32 to vector<16xi32>
    %add3A_3 = arith.addi %add3A_2, %iota3A : vector<16xi32>
    %add3A_4 = arith.constant 16 : i32
    %add3A_5 = vector.broadcast %add3A_4 : i32 to vector<16xi32>
    %add3A_6 = arith.addi %add3A_5, %iota3A : vector<16xi32>
    %add3A_7 = arith.constant 32 : i32
    %add3A_8 = vector.broadcast %add3A_7 : i32 to vector<16xi32>
    %add3A_9 = arith.addi %add3A_8, %iota3A : vector<16xi32>
    %add3A_10 = arith.constant 48 : i32
    %add3A_11 = vector.broadcast %add3A_10 : i32 to vector<16xi32>
    %add3A_12 = arith.addi %add3A_11, %iota3A : vector<16xi32>
    %add3A_13 = arith.constant 64 : i32
    %add3A_14 = vector.broadcast %add3A_13 : i32 to vector<16xi32>
    %add3A_15 = arith.addi %add3A_14, %iota3A : vector<16xi32>
    %add3A_16 = arith.constant 80 : i32
    %add3A_17 = vector.broadcast %add3A_16 : i32 to vector<16xi32>
    %add3A_18 = arith.addi %add3A_17, %iota3A : vector<16xi32>
    %add3A_19 = arith.constant 96 : i32
    %add3A_20 = vector.broadcast %add3A_19 : i32 to vector<16xi32>
    %add3A_21 = arith.addi %add3A_20, %iota3A : vector<16xi32>
    %add3A_22 = arith.constant 112 : i32
    %add3A_23 = vector.broadcast %add3A_22 : i32 to vector<16xi32>
    %add3A_24 = arith.addi %add3A_23, %iota3A : vector<16xi32>
    "tpu.region"() ({
      %run_scoped3A = tpu.sem_alloc : memref<!tpu.dma_semaphore, #tpu.memory_space<semaphore_mem>>
      %dma_start3A_732 = arith.constant 0 : i32
      %dma_start3A_733 = arith.constant 0 : i32
      %dma_start3A_734 = arith.constant 0 : i32
      %dma_start3A_735 = tpu.memref_slice %arg3[%dma_start3A_732, %add3A, %dma_start3A_733, %dma_start3A_734] : memref<25x32x8x128xi32, #tpu.memory_space<hbm>> -> memref<25x1x8x128xi32, #tpu.memory_space<hbm>>
      %dma_start3A_736 = tpu.memref_squeeze %dma_start3A_735 : memref<25x1x8x128xi32, #tpu.memory_space<hbm>> -> memref<25x8x128xi32, #tpu.memory_space<hbm>>
      %dma_start3A_737 = arith.constant 0 : i32
      %dma_start3A_738 = arith.constant 0 : i32
      %dma_start3A_739 = arith.constant 0 : i32
      %dma_start3A_740 = tpu.memref_slice %arg3[%dma_start3A_737, %add3A, %dma_start3A_738, %dma_start3A_739] : memref<25x32x8x128xi32, #tpu.memory_space<hbm>> -> memref<25x1x8x128xi32, #tpu.memory_space<hbm>>
      %dma_start3A_741 = tpu.memref_squeeze %dma_start3A_740 : memref<25x1x8x128xi32, #tpu.memory_space<hbm>> -> memref<25x8x128xi32, #tpu.memory_space<hbm>>
      tpu.enqueue_dma source(%dma_start3A_741 : memref<25x8x128xi32, #tpu.memory_space<hbm>>) target(%arg5 : memref<25x8x128xi32, #tpu.memory_space<vmem>>) target_semaphore(%run_scoped3A : memref<!tpu.dma_semaphore, #tpu.memory_space<semaphore_mem>>)
      %dma_wait3A_742 = arith.constant 0 : i32
      %dma_wait3A_743 = arith.constant 0 : i32
      %dma_wait3A_744 = arith.constant 0 : i32
      %dma_wait3A_745 = tpu.memref_slice %arg3[%dma_wait3A_742, %add3A, %dma_wait3A_743, %dma_wait3A_744] : memref<25x32x8x128xi32, #tpu.memory_space<hbm>> -> memref<25x1x8x128xi32, #tpu.memory_space<hbm>>
      %dma_wait3A_746 = tpu.memref_squeeze %dma_wait3A_745 : memref<25x1x8x128xi32, #tpu.memory_space<hbm>> -> memref<25x8x128xi32, #tpu.memory_space<hbm>>
      %dma_wait3A_747 = arith.constant 0 : i32
      %dma_wait3A_748 = arith.constant 0 : i32
      %dma_wait3A_749 = arith.constant 0 : i32
      %dma_wait3A_750 = tpu.memref_slice %arg3[%dma_wait3A_747, %add3A, %dma_wait3A_748, %dma_wait3A_749] : memref<25x32x8x128xi32, #tpu.memory_space<hbm>> -> memref<25x1x8x128xi32, #tpu.memory_space<hbm>>
      %dma_wait3A_751 = tpu.memref_squeeze %dma_wait3A_750 : memref<25x1x8x128xi32, #tpu.memory_space<hbm>> -> memref<25x8x128xi32, #tpu.memory_space<hbm>>
      tpu.wait_dma2 semaphore(%run_scoped3A : memref<!tpu.dma_semaphore, #tpu.memory_space<semaphore_mem>>) src(%dma_wait3A_751 : memref<25x8x128xi32, #tpu.memory_space<hbm>>) dst(%arg5 : memref<25x8x128xi32, #tpu.memory_space<vmem>>)
      tpu.yield
    }) : () -> ()
    %get3A = arith.constant 0 : i32
    %get3A_25 = arith.constant 0 : i32
    %get3A_26 = arith.index_cast %get3A : i32 to index
    %get3A_27 = arith.index_cast %get3A_25 : i32 to index
    %get3A_28 = arith.constant 0 : index
    %get3A_29 = tpu.vector_load %arg5[%get3A_26, %get3A_27, %get3A_28] {strides = array<i32>} : memref<25x8x128xi32, #tpu.memory_space<vmem>>, vector<16xi32>,
    %and3A = arith.constant 524287 : i32
    %and3A_30 = vector.broadcast %and3A : i32 to vector<16xi32>
    %and3A_31 = arith.andi %get3A_29, %and3A_30 : vector<16xi32>
    %shift_left3A = arith.constant 1 : i32
    %shift_left3A_32 = vector.broadcast %shift_left3A : i32 to vector<16xi32>
    %shift_left3A_33 = arith.shli %and3A_31, %shift_left3A_32 : vector<16xi32>
    %shift_right_arithmetic3A = arith.constant 19 : i32
    %shift_right_arithmetic3A_34 = vector.broadcast %shift_right_arithmetic3A : i32 to vector<16xi32>
    %shift_right_arithmetic3A_35 = arith.shrsi %get3A_29, %shift_right_arithmetic3A_34 : vector<16xi32>
    %or3A = arith.ori %shift_left3A_33, %shift_right_arithmetic3A_35 : vector<16xi32>
    %swap3A = arith.constant 0 : index
    %swap3A_36 = tpu.vector_load %arg10[%swap3A] {strides = array<i32>} : memref<128xi32, #tpu.memory_space<vmem>>, vector<16xi32>,
    tpu.vector_store %arg10[%swap3A], %or3A {strides = array<i32>} : memref<128xi32, #tpu.memory_space<vmem>>, vector<16xi32>,
    %get3A_37 = arith.constant 0 : i32
    %get3A_38 = arith.constant 0 : i32
    %get3A_39 = arith.index_cast %get3A_37 : i32 to index
    %get3A_40 = arith.index_cast %get3A_38 : i32 to index
    %get3A_41 = arith.constant 16 : index
    %get3A_42 = tpu.vector_load %arg5[%get3A_39, %get3A_40, %get3A_41] {strides = array<i32>} : memref<25x8x128xi32, #tpu.memory_space<vmem>>, vector<16xi32>,
    %and3A_43 = arith.constant 524287 : i32
    %and3A_44 = vector.broadcast %and3A_43 : i32 to vector<16xi32>
    %and3A_45 = arith.andi %get3A_42, %and3A_44 : vector<16xi32>
    %shift_left3A_46 = arith.constant 1 : i32
    %shift_left3A_47 = vector.broadcast %shift_left3A_46 : i32 to vector<16xi32>
    %shift_left3A_48 = arith.shli %and3A_45, %shift_left3A_47 : vector<16xi32>
    %shift_right_arithmetic3A_49 = arith.constant 19 : i32
    %shift_right_arithmetic3A_50 = vector.broadcast %shift_right_arithmetic3A_49 : i32 to vector<16xi32>
    %shift_right_arithmetic3A_51 = arith.shrsi %get3A_42, %shift_right_arithmetic3A_50 : vector<16xi32>
    %or3A_52 = arith.ori %shift_left3A_48, %shift_right_arithmetic3A_51 : vector<16xi32>
    %swap3A_53 = arith.constant 16 : index
    %swap3A_54 = tpu.vector_load %arg10[%swap3A_53] {strides = array<i32>} : memref<128xi32, #tpu.memory_space<vmem>>, vector<16xi32>,
    tpu.vector_store %arg10[%swap3A_53], %or3A_52 {strides = array<i32>} : memref<128xi32, #tpu.memory_space<vmem>>, vector<16xi32>,
    %get3A_55 = arith.constant 0 : i32
    %get3A_56 = arith.constant 0 : i32
    %get3A_57 = arith.index_cast %get3A_55 : i32 to index
    %get3A_58 = arith.index_cast %get3A_56 : i32 to index
    %get3A_59 = arith.constant 32 : index
    %get3A_60 = tpu.vector_load %arg5[%get3A_57, %get3A_58, %get3A_59] {strides = array<i32>} : memref<25x8x128xi32, #tpu.memory_space<vmem>>, vector<16xi32>,
    %and3A_61 = arith.constant 524287 : i32
    %and3A_62 = vector.broadcast %and3A_61 : i32 to vector<16xi32>
    %and3A_63 = arith.andi %get3A_60, %and3A_62 : vector<16xi32>
    %shift_left3A_64 = arith.constant 1 : i32
    %shift_left3A_65 = vector.broadcast %shift_left3A_64 : i32 to vector<16xi32>
    %shift_left3A_66 = arith.shli %and3A_63, %shift_left3A_65 : vector<16xi32>
    %shift_right_arithmetic3A_67 = arith.constant 19 : i32
    %shift_right_arithmetic3A_68 = vector.broadcast %shift_right_arithmetic3A_67 : i32 to vector<16xi32>
    %shift_right_arithmetic3A_69 = arith.shrsi %get3A_60, %shift_right_arithmetic3A_68 : vector<16xi32>
    %or3A_70 = arith.ori %shift_left3A_66, %shift_right_arithmetic3A_69 : vector<16xi32>
    %swap3A_71 = arith.constant 32 : index
    %swap3A_72 = tpu.vector_load %arg10[%swap3A_71] {strides = array<i32>} : memref<128xi32, #tpu.memory_space<vmem>>, vector<16xi32>,
    tpu.vector_store %arg10[%swap3A_71], %or3A_70 {strides = array<i32>} : memref<128xi32, #tpu.memory_space<vmem>>, vector<16xi32>,
    %get3A_73 = arith.constant 0 : i32
    %get3A_74 = arith.constant 0 : i32
    %get3A_75 = arith.index_cast %get3A_73 : i32 to index
    %get3A_76 = arith.index_cast %get3A_74 : i32 to index
    %get3A_77 = arith.constant 48 : index
    %get3A_78 = tpu.vector_load %arg5[%get3A_75, %get3A_76, %get3A_77] {strides = array<i32>} : memref<25x8x128xi32, #tpu.memory_space<vmem>>, vector<16xi32>,
    %and3A_79 = arith.constant 524287 : i32
    %and3A_80 = vector.broadcast %and3A_79 : i32 to vector<16xi32>
    %and3A_81 = arith.andi %get3A_78, %and3A_80 : vector<16xi32>
    %shift_left3A_82 = arith.constant 1 : i32
    %shift_left3A_83 = vector.broadcast %shift_left3A_82 : i32 to vector<16xi32>
    %shift_left3A_84 = arith.shli %and3A_81, %shift_left3A_83 : vector<16xi32>
    %shift_right_arithmetic3A_85 = arith.constant 19 : i32
    %shift_right_arithmetic3A_86 = vector.broadcast %shift_right_arithmetic3A_85 : i32 to vector<16xi32>
    %shift_right_arithmetic3A_87 = arith.shrsi %get3A_78, %shift_right_arithmetic3A_86 : vector<16xi32>
    %or3A_88 = arith.ori %shift_left3A_84, %shift_right_arithmetic3A_87 : vector<16xi32>
    %swap3A_89 = arith.constant 48 : index
    %swap3A_90 = tpu.vector_load %arg10[%swap3A_89] {strides = array<i32>} : memref<128xi32, #tpu.memory_space<vmem>>, vector<16xi32>,
    tpu.vector_store %arg10[%swap3A_89], %or3A_88 {strides = array<i32>} : memref<128xi32, #tpu.memory_space<vmem>>, vector<16xi32>,
    %get3A_91 = arith.constant 0 : i32
    %get3A_92 = arith.constant 0 : i32
    %get3A_93 = arith.index_cast %get3A_91 : i32 to index
    %get3A_94 = arith.index_cast %get3A_92 : i32 to index
    %get3A_95 = arith.constant 64 : index
    %get3A_96 = tpu.vector_load %arg5[%get3A_93, %get3A_94, %get3A_95] {strides = array<i32>} : memref<25x8x128xi32, #tpu.memory_space<vmem>>, vector<16xi32>,
    %and3A_97 = arith.constant 524287 : i32
    %and3A_98 = vector.broadcast %and3A_97 : i32 to vector<16xi32>
    %and3A_99 = arith.andi %get3A_96, %and3A_98 : vector<16xi32>
    %shift_left3A_100 = arith.constant 1 : i32
    %shift_left3A_101 = vector.broadcast %shift_left3A_100 : i32 to vector<16xi32>
    %shift_left3A_102 = arith.shli %and3A_99, %shift_left3A_101 : vector<16xi32>
    %shift_right_arithmetic3A_103 = arith.constant 19 : i32
    %shift_right_arithmetic3A_104 = vector.broadcast %shift_right_arithmetic3A_103 : i32 to vector<16xi32>
    %shift_right_arithmetic3A_105 = arith.shrsi %get3A_96, %shift_right_arithmetic3A_104 : vector<16xi32>
    %or3A_106 = arith.ori %shift_left3A_102, %shift_right_arithmetic3A_105 : vector<16xi32>
    %swap3A_107 = arith.constant 64 : index
    %swap3A_108 = tpu.vector_load %arg10[%swap3A_107] {strides = array<i32>} : memref<128xi32, #tpu.memory_space<vmem>>, vector<16xi32>,
    tpu.vector_store %arg10[%swap3A_107], %or3A_106 {strides = array<i32>} : memref<128xi32, #tpu.memory_space<vmem>>, vector<16xi32>,
    %get3A_109 = arith.constant 0 : i32
    %get3A_110 = arith.constant 0 : i32
    %get3A_111 = arith.index_cast %get3A_109 : i32 to index
    %get3A_112 = arith.index_cast %get3A_110 : i32 to index
    %get3A_113 = arith.constant 80 : index
    %get3A_114 = tpu.vector_load %arg5[%get3A_111, %get3A_112, %get3A_113] {strides = array<i32>} : memref<25x8x128xi32, #tpu.memory_space<vmem>>, vector<16xi32>,
    %and3A_115 = arith.constant 524287 : i32
    %and3A_116 = vector.broadcast %and3A_115 : i32 to vector<16xi32>
    %and3A_117 = arith.andi %get3A_114, %and3A_116 : vector<16xi32>
    %shift_left3A_118 = arith.constant 1 : i32
    %shift_left3A_119 = vector.broadcast %shift_left3A_118 : i32 to vector<16xi32>
    %shift_left3A_120 = arith.shli %and3A_117, %shift_left3A_119 : vector<16xi32>
    %shift_right_arithmetic3A_121 = arith.constant 19 : i32
    %shift_right_arithmetic3A_122 = vector.broadcast %shift_right_arithmetic3A_121 : i32 to vector<16xi32>
    %shift_right_arithmetic3A_123 = arith.shrsi %get3A_114, %shift_right_arithmetic3A_122 : vector<16xi32>
    %or3A_124 = arith.ori %shift_left3A_120, %shift_right_arithmetic3A_123 : vector<16xi32>
    %swap3A_125 = arith.constant 80 : index
    %swap3A_126 = tpu.vector_load %arg10[%swap3A_125] {strides = array<i32>} : memref<128xi32, #tpu.memory_space<vmem>>, vector<16xi32>,
    tpu.vector_store %arg10[%swap3A_125], %or3A_124 {strides = array<i32>} : memref<128xi32, #tpu.memory_space<vmem>>, vector<16xi32>,
    %get3A_127 = arith.constant 0 : i32
    %get3A_128 = arith.constant 0 : i32
    %get3A_129 = arith.index_cast %get3A_127 : i32 to index
    %get3A_130 = arith.index_cast %get3A_128 : i32 to index
    %get3A_131 = arith.constant 96 : index
    %get3A_132 = tpu.vector_load %arg5[%get3A_129, %get3A_130, %get3A_131] {strides = array<i32>} : memref<25x8x128xi32, #tpu.memory_space<vmem>>, vector<16xi32>,
    %and3A_133 = arith.constant 524287 : i32
    %and3A_134 = vector.broadcast %and3A_133 : i32 to vector<16xi32>
    %and3A_135 = arith.andi %get3A_132, %and3A_134 : vector<16xi32>
    %shift_left3A_136 = arith.constant 1 : i32
    %shift_left3A_137 = vector.broadcast %shift_left3A_136 : i32 to vector<16xi32>
    %shift_left3A_138 = arith.shli %and3A_135, %shift_left3A_137 : vector<16xi32>
    %shift_right_arithmetic3A_139 = arith.constant 19 : i32
    %shift_right_arithmetic3A_140 = vector.broadcast %shift_right_arithmetic3A_139 : i32 to vector<16xi32>
    %shift_right_arithmetic3A_141 = arith.shrsi %get3A_132, %shift_right_arithmetic3A_140 : vector<16xi32>
    %or3A_142 = arith.ori %shift_left3A_138, %shift_right_arithmetic3A_141 : vector<16xi32>
    %swap3A_143 = arith.constant 96 : index
    %swap3A_144 = tpu.vector_load %arg10[%swap3A_143] {strides = array<i32>} : memref<128xi32, #tpu.memory_space<vmem>>, vector<16xi32>,
    tpu.vector_store %arg10[%swap3A_143], %or3A_142 {strides = array<i32>} : memref<128xi32, #tpu.memory_space<vmem>>, vector<16xi32>,
    %get3A_145 = arith.constant 0 : i32
    %get3A_146 = arith.constant 0 : i32
    %get3A_147 = arith.index_cast %get3A_145 : i32 to index
    %get3A_148 = arith.index_cast %get3A_146 : i32 to index
    %get3A_149 = arith.constant 112 : index
    %get3A_150 = tpu.vector_load %arg5[%get3A_147, %get3A_148, %get3A_149] {strides = array<i32>} : memref<25x8x128xi32, #tpu.memory_space<vmem>>, vector<16xi32>,
    %and3A_151 = arith.constant 524287 : i32
    %and3A_152 = vector.broadcast %and3A_151 : i32 to vector<16xi32>
    %and3A_153 = arith.andi %get3A_150, %and3A_152 : vector<16xi32>
    %shift_left3A_154 = arith.constant 1 : i32
    %shift_left3A_155 = vector.broadcast %shift_left3A_154 : i32 to vector<16xi32>
    %shift_left3A_156 = arith.shli %and3A_153, %shift_left3A_155 : vector<16xi32>
    %shift_right_arithmetic3A_157 = arith.constant 19 : i32
    %shift_right_arithmetic3A_158 = vector.broadcast %shift_right_arithmetic3A_157 : i32 to vector<16xi32>
    %shift_right_arithmetic3A_159 = arith.shrsi %get3A_150, %shift_right_arithmetic3A_158 : vector<16xi32>
    %or3A_160 = arith.ori %shift_left3A_156, %shift_right_arithmetic3A_159 : vector<16xi32>
    %swap3A_161 = arith.constant 112 : index
    %swap3A_162 = tpu.vector_load %arg10[%swap3A_161] {strides = array<i32>} : memref<128xi32, #tpu.memory_space<vmem>>, vector<16xi32>,
    tpu.vector_store %arg10[%swap3A_161], %or3A_160 {strides = array<i32>} : memref<128xi32, #tpu.memory_space<vmem>>, vector<16xi32>,
    %dma_start3A = arith.constant 0 : i32
    %dma_start3A_163 = arith.constant 0 : i32
    %dma_start3A_164 = tpu.memref_slice %arg2[%dma_start3A, %dma_start3A_163] : memref<1048576x64xf32, #tpu.memory_space<hbm>> -> memref<1048576x64xf32, #tpu.memory_space<hbm>>
    tpu.enqueue_indirect_dma source(%dma_start3A_164 : memref<1048576x64xf32, #tpu.memory_space<hbm>>) target(%arg6 : memref<128x64xf32, #tpu.memory_space<vmem>>) offsets(%arg10 : memref<128xi32, #tpu.memory_space<vmem>>) semaphore(%arg16 : memref<!tpu.dma_semaphore, #tpu.memory_space<semaphore_mem>>)
    %get3A_165 = arith.constant 0 : i32
    %get3A_166 = arith.constant 1 : i32
    %get3A_167 = arith.index_cast %get3A_165 : i32 to index
    %get3A_168 = arith.index_cast %get3A_166 : i32 to index
    %get3A_169 = arith.constant 0 : index
    %get3A_170 = tpu.vector_load %arg5[%get3A_167, %get3A_168, %get3A_169] {strides = array<i32>} : memref<25x8x128xi32, #tpu.memory_space<vmem>>, vector<16xi32>,
    %and3A_171 = arith.constant 524287 : i32
    %and3A_172 = vector.broadcast %and3A_171 : i32 to vector<16xi32>
    %and3A_173 = arith.andi %get3A_170, %and3A_172 : vector<16xi32>
    %shift_left3A_174 = arith.constant 1 : i32
    %shift_left3A_175 = vector.broadcast %shift_left3A_174 : i32 to vector<16xi32>
    %shift_left3A_176 = arith.shli %and3A_173, %shift_left3A_175 : vector<16xi32>
    %shift_right_arithmetic3A_177 = arith.constant 19 : i32
    %shift_right_arithmetic3A_178 = vector.broadcast %shift_right_arithmetic3A_177 : i32 to vector<16xi32>
    %shift_right_arithmetic3A_179 = arith.shrsi %get3A_170, %shift_right_arithmetic3A_178 : vector<16xi32>
    %or3A_180 = arith.ori %shift_left3A_176, %shift_right_arithmetic3A_179 : vector<16xi32>
    %swap3A_181 = arith.constant 0 : index
    %swap3A_182 = tpu.vector_load %arg11[%swap3A_181] {strides = array<i32>} : memref<128xi32, #tpu.memory_space<vmem>>, vector<16xi32>,
    tpu.vector_store %arg11[%swap3A_181], %or3A_180 {strides = array<i32>} : memref<128xi32, #tpu.memory_space<vmem>>, vector<16xi32>,
    %get3A_183 = arith.constant 0 : i32
    %get3A_184 = arith.constant 1 : i32
    %get3A_185 = arith.index_cast %get3A_183 : i32 to index
    %get3A_186 = arith.index_cast %get3A_184 : i32 to index
    %get3A_187 = arith.constant 16 : index
    %get3A_188 = tpu.vector_load %arg5[%get3A_185, %get3A_186, %get3A_187] {strides = array<i32>} : memref<25x8x128xi32, #tpu.memory_space<vmem>>, vector<16xi32>,
    %and3A_189 = arith.constant 524287 : i32
    %and3A_190 = vector.broadcast %and3A_189 : i32 to vector<16xi32>
    %and3A_191 = arith.andi %get3A_188, %and3A_190 : vector<16xi32>
    %shift_left3A_192 = arith.constant 1 : i32
    %shift_left3A_193 = vector.broadcast %shift_left3A_192 : i32 to vector<16xi32>
    %shift_left3A_194 = arith.shli %and3A_191, %shift_left3A_193 : vector<16xi32>
    %shift_right_arithmetic3A_195 = arith.constant 19 : i32
    %shift_right_arithmetic3A_196 = vector.broadcast %shift_right_arithmetic3A_195 : i32 to vector<16xi32>
    %shift_right_arithmetic3A_197 = arith.shrsi %get3A_188, %shift_right_arithmetic3A_196 : vector<16xi32>
    %or3A_198 = arith.ori %shift_left3A_194, %shift_right_arithmetic3A_197 : vector<16xi32>
    %swap3A_199 = arith.constant 16 : index
    %swap3A_200 = tpu.vector_load %arg11[%swap3A_199] {strides = array<i32>} : memref<128xi32, #tpu.memory_space<vmem>>, vector<16xi32>,
    tpu.vector_store %arg11[%swap3A_199], %or3A_198 {strides = array<i32>} : memref<128xi32, #tpu.memory_space<vmem>>, vector<16xi32>,
    %get3A_201 = arith.constant 0 : i32
    %get3A_202 = arith.constant 1 : i32
    %get3A_203 = arith.index_cast %get3A_201 : i32 to index
    %get3A_204 = arith.index_cast %get3A_202 : i32 to index
    %get3A_205 = arith.constant 32 : index
    %get3A_206 = tpu.vector_load %arg5[%get3A_203, %get3A_204, %get3A_205] {strides = array<i32>} : memref<25x8x128xi32, #tpu.memory_space<vmem>>, vector<16xi32>,
    %and3A_207 = arith.constant 524287 : i32
    %and3A_208 = vector.broadcast %and3A_207 : i32 to vector<16xi32>
    %and3A_209 = arith.andi %get3A_206, %and3A_208 : vector<16xi32>
    %shift_left3A_210 = arith.constant 1 : i32
    %shift_left3A_211 = vector.broadcast %shift_left3A_210 : i32 to vector<16xi32>
    %shift_left3A_212 = arith.shli %and3A_209, %shift_left3A_211 : vector<16xi32>
    %shift_right_arithmetic3A_213 = arith.constant 19 : i32
    %shift_right_arithmetic3A_214 = vector.broadcast %shift_right_arithmetic3A_213 : i32 to vector<16xi32>
    %shift_right_arithmetic3A_215 = arith.shrsi %get3A_206, %shift_right_arithmetic3A_214 : vector<16xi32>
    %or3A_216 = arith.ori %shift_left3A_212, %shift_right_arithmetic3A_215 : vector<16xi32>
    %swap3A_217 = arith.constant 32 : index
    %swap3A_218 = tpu.vector_load %arg11[%swap3A_217] {strides = array<i32>} : memref<128xi32, #tpu.memory_space<vmem>>, vector<16xi32>,
    tpu.vector_store %arg11[%swap3A_217], %or3A_216 {strides = array<i32>} : memref<128xi32, #tpu.memory_space<vmem>>, vector<16xi32>,
    %get3A_219 = arith.constant 0 : i32
    %get3A_220 = arith.constant 1 : i32
    %get3A_221 = arith.index_cast %get3A_219 : i32 to index
    %get3A_222 = arith.index_cast %get3A_220 : i32 to index
    %get3A_223 = arith.constant 48 : index
    %get3A_224 = tpu.vector_load %arg5[%get3A_221, %get3A_222, %get3A_223] {strides = array<i32>} : memref<25x8x128xi32, #tpu.memory_space<vmem>>, vector<16xi32>,
    %and3A_225 = arith.constant 524287 : i32
    %and3A_226 = vector.broadcast %and3A_225 : i32 to vector<16xi32>
    %and3A_227 = arith.andi %get3A_224, %and3A_226 : vector<16xi32>
    %shift_left3A_228 = arith.constant 1 : i32
    %shift_left3A_229 = vector.broadcast %shift_left3A_228 : i32 to vector<16xi32>
    %shift_left3A_230 = arith.shli %and3A_227, %shift_left3A_229 : vector<16xi32>
    %shift_right_arithmetic3A_231 = arith.constant 19 : i32
    %shift_right_arithmetic3A_232 = vector.broadcast %shift_right_arithmetic3A_231 : i32 to vector<16xi32>
    %shift_right_arithmetic3A_233 = arith.shrsi %get3A_224, %shift_right_arithmetic3A_232 : vector<16xi32>
    %or3A_234 = arith.ori %shift_left3A_230, %shift_right_arithmetic3A_233 : vector<16xi32>
    %swap3A_235 = arith.constant 48 : index
    %swap3A_236 = tpu.vector_load %arg11[%swap3A_235] {strides = array<i32>} : memref<128xi32, #tpu.memory_space<vmem>>, vector<16xi32>,
    tpu.vector_store %arg11[%swap3A_235], %or3A_234 {strides = array<i32>} : memref<128xi32, #tpu.memory_space<vmem>>, vector<16xi32>,
    %get3A_237 = arith.constant 0 : i32
    %get3A_238 = arith.constant 1 : i32
    %get3A_239 = arith.index_cast %get3A_237 : i32 to index
    %get3A_240 = arith.index_cast %get3A_238 : i32 to index
    %get3A_241 = arith.constant 64 : index
    %get3A_242 = tpu.vector_load %arg5[%get3A_239, %get3A_240, %get3A_241] {strides = array<i32>} : memref<25x8x128xi32, #tpu.memory_space<vmem>>, vector<16xi32>,
    %and3A_243 = arith.constant 524287 : i32
    %and3A_244 = vector.broadcast %and3A_243 : i32 to vector<16xi32>
    %and3A_245 = arith.andi %get3A_242, %and3A_244 : vector<16xi32>
    %shift_left3A_246 = arith.constant 1 : i32
    %shift_left3A_247 = vector.broadcast %shift_left3A_246 : i32 to vector<16xi32>
    %shift_left3A_248 = arith.shli %and3A_245, %shift_left3A_247 : vector<16xi32>
    %shift_right_arithmetic3A_249 = arith.constant 19 : i32
    %shift_right_arithmetic3A_250 = vector.broadcast %shift_right_arithmetic3A_249 : i32 to vector<16xi32>
    %shift_right_arithmetic3A_251 = arith.shrsi %get3A_242, %shift_right_arithmetic3A_250 : vector<16xi32>
    %or3A_252 = arith.ori %shift_left3A_248, %shift_right_arithmetic3A_251 : vector<16xi32>
    %swap3A_253 = arith.constant 64 : index
    %swap3A_254 = tpu.vector_load %arg11[%swap3A_253] {strides = array<i32>} : memref<128xi32, #tpu.memory_space<vmem>>, vector<16xi32>,
    tpu.vector_store %arg11[%swap3A_253], %or3A_252 {strides = array<i32>} : memref<128xi32, #tpu.memory_space<vmem>>, vector<16xi32>,
    %get3A_255 = arith.constant 0 : i32
    %get3A_256 = arith.constant 1 : i32
    %get3A_257 = arith.index_cast %get3A_255 : i32 to index
    %get3A_258 = arith.index_cast %get3A_256 : i32 to index
    %get3A_259 = arith.constant 80 : index
    %get3A_260 = tpu.vector_load %arg5[%get3A_257, %get3A_258, %get3A_259] {strides = array<i32>} : memref<25x8x128xi32, #tpu.memory_space<vmem>>, vector<16xi32>,
    %and3A_261 = arith.constant 524287 : i32
    %and3A_262 = vector.broadcast %and3A_261 : i32 to vector<16xi32>
    %and3A_263 = arith.andi %get3A_260, %and3A_262 : vector<16xi32>
    %shift_left3A_264 = arith.constant 1 : i32
    %shift_left3A_265 = vector.broadcast %shift_left3A_264 : i32 to vector<16xi32>
    %shift_left3A_266 = arith.shli %and3A_263, %shift_left3A_265 : vector<16xi32>
    %shift_right_arithmetic3A_267 = arith.constant 19 : i32
    %shift_right_arithmetic3A_268 = vector.broadcast %shift_right_arithmetic3A_267 : i32 to vector<16xi32>
    %shift_right_arithmetic3A_269 = arith.shrsi %get3A_260, %shift_right_arithmetic3A_268 : vector<16xi32>
    %or3A_270 = arith.ori %shift_left3A_266, %shift_right_arithmetic3A_269 : vector<16xi32>
    %swap3A_271 = arith.constant 80 : index
    %swap3A_272 = tpu.vector_load %arg11[%swap3A_271] {strides = array<i32>} : memref<128xi32, #tpu.memory_space<vmem>>, vector<16xi32>,
    tpu.vector_store %arg11[%swap3A_271], %or3A_270 {strides = array<i32>} : memref<128xi32, #tpu.memory_space<vmem>>, vector<16xi32>,
    %get3A_273 = arith.constant 0 : i32
    %get3A_274 = arith.constant 1 : i32
    %get3A_275 = arith.index_cast %get3A_273 : i32 to index
    %get3A_276 = arith.index_cast %get3A_274 : i32 to index
    %get3A_277 = arith.constant 96 : index
    %get3A_278 = tpu.vector_load %arg5[%get3A_275, %get3A_276, %get3A_277] {strides = array<i32>} : memref<25x8x128xi32, #tpu.memory_space<vmem>>, vector<16xi32>,
    %and3A_279 = arith.constant 524287 : i32
    %and3A_280 = vector.broadcast %and3A_279 : i32 to vector<16xi32>
    %and3A_281 = arith.andi %get3A_278, %and3A_280 : vector<16xi32>
    %shift_left3A_282 = arith.constant 1 : i32
    %shift_left3A_283 = vector.broadcast %shift_left3A_282 : i32 to vector<16xi32>
    %shift_left3A_284 = arith.shli %and3A_281, %shift_left3A_283 : vector<16xi32>
    %shift_right_arithmetic3A_285 = arith.constant 19 : i32
    %shift_right_arithmetic3A_286 = vector.broadcast %shift_right_arithmetic3A_285 : i32 to vector<16xi32>
    %shift_right_arithmetic3A_287 = arith.shrsi %get3A_278, %shift_right_arithmetic3A_286 : vector<16xi32>
    %or3A_288 = arith.ori %shift_left3A_284, %shift_right_arithmetic3A_287 : vector<16xi32>
    %swap3A_289 = arith.constant 96 : index
    %swap3A_290 = tpu.vector_load %arg11[%swap3A_289] {strides = array<i32>} : memref<128xi32, #tpu.memory_space<vmem>>, vector<16xi32>,
    tpu.vector_store %arg11[%swap3A_289], %or3A_288 {strides = array<i32>} : memref<128xi32, #tpu.memory_space<vmem>>, vector<16xi32>,
    %get3A_291 = arith.constant 0 : i32
    %get3A_292 = arith.constant 1 : i32
    %get3A_293 = arith.index_cast %get3A_291 : i32 to index
    %get3A_294 = arith.index_cast %get3A_292 : i32 to index
    %get3A_295 = arith.constant 112 : index
    %get3A_296 = tpu.vector_load %arg5[%get3A_293, %get3A_294, %get3A_295] {strides = array<i32>} : memref<25x8x128xi32, #tpu.memory_space<vmem>>, vector<16xi32>,
    %and3A_297 = arith.constant 524287 : i32
    %and3A_298 = vector.broadcast %and3A_297 : i32 to vector<16xi32>
    %and3A_299 = arith.andi %get3A_296, %and3A_298 : vector<16xi32>
    %shift_left3A_300 = arith.constant 1 : i32
    %shift_left3A_301 = vector.broadcast %shift_left3A_300 : i32 to vector<16xi32>
    %shift_left3A_302 = arith.shli %and3A_299, %shift_left3A_301 : vector<16xi32>
    %shift_right_arithmetic3A_303 = arith.constant 19 : i32
    %shift_right_arithmetic3A_304 = vector.broadcast %shift_right_arithmetic3A_303 : i32 to vector<16xi32>
    %shift_right_arithmetic3A_305 = arith.shrsi %get3A_296, %shift_right_arithmetic3A_304 : vector<16xi32>
    %or3A_306 = arith.ori %shift_left3A_302, %shift_right_arithmetic3A_305 : vector<16xi32>
    %swap3A_307 = arith.constant 112 : index
    %swap3A_308 = tpu.vector_load %arg11[%swap3A_307] {strides = array<i32>} : memref<128xi32, #tpu.memory_space<vmem>>, vector<16xi32>,
    tpu.vector_store %arg11[%swap3A_307], %or3A_306 {strides = array<i32>} : memref<128xi32, #tpu.memory_space<vmem>>, vector<16xi32>,
    %dma_start3A_309 = arith.constant 0 : i32
    %dma_start3A_310 = arith.constant 0 : i32
    %dma_start3A_311 = tpu.memref_slice %arg2[%dma_start3A_309, %dma_start3A_310] : memref<1048576x64xf32, #tpu.memory_space<hbm>> -> memref<1048576x64xf32, #tpu.memory_space<hbm>>
    tpu.enqueue_indirect_dma source(%dma_start3A_311 : memref<1048576x64xf32, #tpu.memory_space<hbm>>) target(%arg7 : memref<128x64xf32, #tpu.memory_space<vmem>>) offsets(%arg11 : memref<128xi32, #tpu.memory_space<vmem>>) semaphore(%arg17 : memref<!tpu.dma_semaphore, #tpu.memory_space<semaphore_mem>>)
    %get3A_312 = arith.constant 0 : i32
    %get3A_313 = arith.constant 2 : i32
    %get3A_314 = arith.index_cast %get3A_312 : i32 to index
    %get3A_315 = arith.index_cast %get3A_313 : i32 to index
    %get3A_316 = arith.constant 0 : index
    %get3A_317 = tpu.vector_load %arg5[%get3A_314, %get3A_315, %get3A_316] {strides = array<i32>} : memref<25x8x128xi32, #tpu.memory_space<vmem>>, vector<16xi32>,
    %and3A_318 = arith.constant 524287 : i32
    %and3A_319 = vector.broadcast %and3A_318 : i32 to vector<16xi32>
    %and3A_320 = arith.andi %get3A_317, %and3A_319 : vector<16xi32>
    %shift_left3A_321 = arith.constant 1 : i32
    %shift_left3A_322 = vector.broadcast %shift_left3A_321 : i32 to vector<16xi32>
    %shift_left3A_323 = arith.shli %and3A_320, %shift_left3A_322 : vector<16xi32>
    %shift_right_arithmetic3A_324 = arith.constant 19 : i32
    %shift_right_arithmetic3A_325 = vector.broadcast %shift_right_arithmetic3A_324 : i32 to vector<16xi32>
    %shift_right_arithmetic3A_326 = arith.shrsi %get3A_317, %shift_right_arithmetic3A_325 : vector<16xi32>
    %or3A_327 = arith.ori %shift_left3A_323, %shift_right_arithmetic3A_326 : vector<16xi32>
    %swap3A_328 = arith.constant 0 : index
    %swap3A_329 = tpu.vector_load %arg12[%swap3A_328] {strides = array<i32>} : memref<128xi32, #tpu.memory_space<vmem>>, vector<16xi32>,
    tpu.vector_store %arg12[%swap3A_328], %or3A_327 {strides = array<i32>} : memref<128xi32, #tpu.memory_space<vmem>>, vector<16xi32>,
    %get3A_330 = arith.constant 0 : i32
    %get3A_331 = arith.constant 2 : i32
    %get3A_332 = arith.index_cast %get3A_330 : i32 to index
    %get3A_333 = arith.index_cast %get3A_331 : i32 to index
    %get3A_334 = arith.constant 16 : index
    %get3A_335 = tpu.vector_load %arg5[%get3A_332, %get3A_333, %get3A_334] {strides = array<i32>} : memref<25x8x128xi32, #tpu.memory_space<vmem>>, vector<16xi32>,
    %and3A_336 = arith.constant 524287 : i32
    %and3A_337 = vector.broadcast %and3A_336 : i32 to vector<16xi32>
    %and3A_338 = arith.andi %get3A_335, %and3A_337 : vector<16xi32>
    %shift_left3A_339 = arith.constant 1 : i32
    %shift_left3A_340 = vector.broadcast %shift_left3A_339 : i32 to vector<16xi32>
    %shift_left3A_341 = arith.shli %and3A_338, %shift_left3A_340 : vector<16xi32>
    %shift_right_arithmetic3A_342 = arith.constant 19 : i32
    %shift_right_arithmetic3A_343 = vector.broadcast %shift_right_arithmetic3A_342 : i32 to vector<16xi32>
    %shift_right_arithmetic3A_344 = arith.shrsi %get3A_335, %shift_right_arithmetic3A_343 : vector<16xi32>
    %or3A_345 = arith.ori %shift_left3A_341, %shift_right_arithmetic3A_344 : vector<16xi32>
    %swap3A_346 = arith.constant 16 : index
    %swap3A_347 = tpu.vector_load %arg12[%swap3A_346] {strides = array<i32>} : memref<128xi32, #tpu.memory_space<vmem>>, vector<16xi32>,
    tpu.vector_store %arg12[%swap3A_346], %or3A_345 {strides = array<i32>} : memref<128xi32, #tpu.memory_space<vmem>>, vector<16xi32>,
    %get3A_348 = arith.constant 0 : i32
    %get3A_349 = arith.constant 2 : i32
    %get3A_350 = arith.index_cast %get3A_348 : i32 to index
    %get3A_351 = arith.index_cast %get3A_349 : i32 to index
    %get3A_352 = arith.constant 32 : index
    %get3A_353 = tpu.vector_load %arg5[%get3A_350, %get3A_351, %get3A_352] {strides = array<i32>} : memref<25x8x128xi32, #tpu.memory_space<vmem>>, vector<16xi32>,
    %and3A_354 = arith.constant 524287 : i32
    %and3A_355 = vector.broadcast %and3A_354 : i32 to vector<16xi32>
    %and3A_356 = arith.andi %get3A_353, %and3A_355 : vector<16xi32>
    %shift_left3A_357 = arith.constant 1 : i32
    %shift_left3A_358 = vector.broadcast %shift_left3A_357 : i32 to vector<16xi32>
    %shift_left3A_359 = arith.shli %and3A_356, %shift_left3A_358 : vector<16xi32>
    %shift_right_arithmetic3A_360 = arith.constant 19 : i32
    %shift_right_arithmetic3A_361 = vector.broadcast %shift_right_arithmetic3A_360 : i32 to vector<16xi32>
    %shift_right_arithmetic3A_362 = arith.shrsi %get3A_353, %shift_right_arithmetic3A_361 : vector<16xi32>
    %or3A_363 = arith.ori %shift_left3A_359, %shift_right_arithmetic3A_362 : vector<16xi32>
    %swap3A_364 = arith.constant 32 : index
    %swap3A_365 = tpu.vector_load %arg12[%swap3A_364] {strides = array<i32>} : memref<128xi32, #tpu.memory_space<vmem>>, vector<16xi32>,
    tpu.vector_store %arg12[%swap3A_364], %or3A_363 {strides = array<i32>} : memref<128xi32, #tpu.memory_space<vmem>>, vector<16xi32>,
    %get3A_366 = arith.constant 0 : i32
    %get3A_367 = arith.constant 2 : i32
    %get3A_368 = arith.index_cast %get3A_366 : i32 to index
    %get3A_369 = arith.index_cast %get3A_367 : i32 to index
    %get3A_370 = arith.constant 48 : index
    %get3A_371 = tpu.vector_load %arg5[%get3A_368, %get3A_369, %get3A_370] {strides = array<i32>} : memref<25x8x128xi32, #tpu.memory_space<vmem>>, vector<16xi32>,
    %and3A_372 = arith.constant 524287 : i32
    %and3A_373 = vector.broadcast %and3A_372 : i32 to vector<16xi32>
    %and3A_374 = arith.andi %get3A_371, %and3A_373 : vector<16xi32>
    %shift_left3A_375 = arith.constant 1 : i32
    %shift_left3A_376 = vector.broadcast %shift_left3A_375 : i32 to vector<16xi32>
    %shift_left3A_377 = arith.shli %and3A_374, %shift_left3A_376 : vector<16xi32>
    %shift_right_arithmetic3A_378 = arith.constant 19 : i32
    %shift_right_arithmetic3A_379 = vector.broadcast %shift_right_arithmetic3A_378 : i32 to vector<16xi32>
    %shift_right_arithmetic3A_380 = arith.shrsi %get3A_371, %shift_right_arithmetic3A_379 : vector<16xi32>
    %or3A_381 = arith.ori %shift_left3A_377, %shift_right_arithmetic3A_380 : vector<16xi32>
    %swap3A_382 = arith.constant 48 : index
    %swap3A_383 = tpu.vector_load %arg12[%swap3A_382] {strides = array<i32>} : memref<128xi32, #tpu.memory_space<vmem>>, vector<16xi32>,
    tpu.vector_store %arg12[%swap3A_382], %or3A_381 {strides = array<i32>} : memref<128xi32, #tpu.memory_space<vmem>>, vector<16xi32>,
    %get3A_384 = arith.constant 0 : i32
    %get3A_385 = arith.constant 2 : i32
    %get3A_386 = arith.index_cast %get3A_384 : i32 to index
    %get3A_387 = arith.index_cast %get3A_385 : i32 to index
    %get3A_388 = arith.constant 64 : index
    %get3A_389 = tpu.vector_load %arg5[%get3A_386, %get3A_387, %get3A_388] {strides = array<i32>} : memref<25x8x128xi32, #tpu.memory_space<vmem>>, vector<16xi32>,
    %and3A_390 = arith.constant 524287 : i32
    %and3A_391 = vector.broadcast %and3A_390 : i32 to vector<16xi32>
    %and3A_392 = arith.andi %get3A_389, %and3A_391 : vector<16xi32>
    %shift_left3A_393 = arith.constant 1 : i32
    %shift_left3A_394 = vector.broadcast %shift_left3A_393 : i32 to vector<16xi32>
    %shift_left3A_395 = arith.shli %and3A_392, %shift_left3A_394 : vector<16xi32>
    %shift_right_arithmetic3A_396 = arith.constant 19 : i32
    %shift_right_arithmetic3A_397 = vector.broadcast %shift_right_arithmetic3A_396 : i32 to vector<16xi32>
    %shift_right_arithmetic3A_398 = arith.shrsi %get3A_389, %shift_right_arithmetic3A_397 : vector<16xi32>
    %or3A_399 = arith.ori %shift_left3A_395, %shift_right_arithmetic3A_398 : vector<16xi32>
    %swap3A_400 = arith.constant 64 : index
    %swap3A_401 = tpu.vector_load %arg12[%swap3A_400] {strides = array<i32>} : memref<128xi32, #tpu.memory_space<vmem>>, vector<16xi32>,
    tpu.vector_store %arg12[%swap3A_400], %or3A_399 {strides = array<i32>} : memref<128xi32, #tpu.memory_space<vmem>>, vector<16xi32>,
    %get3A_402 = arith.constant 0 : i32
    %get3A_403 = arith.constant 2 : i32
    %get3A_404 = arith.index_cast %get3A_402 : i32 to index
    %get3A_405 = arith.index_cast %get3A_403 : i32 to index
    %get3A_406 = arith.constant 80 : index
    %get3A_407 = tpu.vector_load %arg5[%get3A_404, %get3A_405, %get3A_406] {strides = array<i32>} : memref<25x8x128xi32, #tpu.memory_space<vmem>>, vector<16xi32>,
    %and3A_408 = arith.constant 524287 : i32
    %and3A_409 = vector.broadcast %and3A_408 : i32 to vector<16xi32>
    %and3A_410 = arith.andi %get3A_407, %and3A_409 : vector<16xi32>
    %shift_left3A_411 = arith.constant 1 : i32
    %shift_left3A_412 = vector.broadcast %shift_left3A_411 : i32 to vector<16xi32>
    %shift_left3A_413 = arith.shli %and3A_410, %shift_left3A_412 : vector<16xi32>
    %shift_right_arithmetic3A_414 = arith.constant 19 : i32
    %shift_right_arithmetic3A_415 = vector.broadcast %shift_right_arithmetic3A_414 : i32 to vector<16xi32>
    %shift_right_arithmetic3A_416 = arith.shrsi %get3A_407, %shift_right_arithmetic3A_415 : vector<16xi32>
    %or3A_417 = arith.ori %shift_left3A_413, %shift_right_arithmetic3A_416 : vector<16xi32>
    %swap3A_418 = arith.constant 80 : index
    %swap3A_419 = tpu.vector_load %arg12[%swap3A_418] {strides = array<i32>} : memref<128xi32, #tpu.memory_space<vmem>>, vector<16xi32>,
    tpu.vector_store %arg12[%swap3A_418], %or3A_417 {strides = array<i32>} : memref<128xi32, #tpu.memory_space<vmem>>, vector<16xi32>,
    %get3A_420 = arith.constant 0 : i32
    %get3A_421 = arith.constant 2 : i32
    %get3A_422 = arith.index_cast %get3A_420 : i32 to index
    %get3A_423 = arith.index_cast %get3A_421 : i32 to index
    %get3A_424 = arith.constant 96 : index
    %get3A_425 = tpu.vector_load %arg5[%get3A_422, %get3A_423, %get3A_424] {strides = array<i32>} : memref<25x8x128xi32, #tpu.memory_space<vmem>>, vector<16xi32>,
    %and3A_426 = arith.constant 524287 : i32
    %and3A_427 = vector.broadcast %and3A_426 : i32 to vector<16xi32>
    %and3A_428 = arith.andi %get3A_425, %and3A_427 : vector<16xi32>
    %shift_left3A_429 = arith.constant 1 : i32
    %shift_left3A_430 = vector.broadcast %shift_left3A_429 : i32 to vector<16xi32>
    %shift_left3A_431 = arith.shli %and3A_428, %shift_left3A_430 : vector<16xi32>
    %shift_right_arithmetic3A_432 = arith.constant 19 : i32
    %shift_right_arithmetic3A_433 = vector.broadcast %shift_right_arithmetic3A_432 : i32 to vector<16xi32>
    %shift_right_arithmetic3A_434 = arith.shrsi %get3A_425, %shift_right_arithmetic3A_433 : vector<16xi32>
    %or3A_435 = arith.ori %shift_left3A_431, %shift_right_arithmetic3A_434 : vector<16xi32>
    %swap3A_436 = arith.constant 96 : index
    %swap3A_437 = tpu.vector_load %arg12[%swap3A_436] {strides = array<i32>} : memref<128xi32, #tpu.memory_space<vmem>>, vector<16xi32>,
    tpu.vector_store %arg12[%swap3A_436], %or3A_435 {strides = array<i32>} : memref<128xi32, #tpu.memory_space<vmem>>, vector<16xi32>,
    %get3A_438 = arith.constant 0 : i32
    %get3A_439 = arith.constant 2 : i32
    %get3A_440 = arith.index_cast %get3A_438 : i32 to index
    %get3A_441 = arith.index_cast %get3A_439 : i32 to index
    %get3A_442 = arith.constant 112 : index
    %get3A_443 = tpu.vector_load %arg5[%get3A_440, %get3A_441, %get3A_442] {strides = array<i32>} : memref<25x8x128xi32, #tpu.memory_space<vmem>>, vector<16xi32>,
    %and3A_444 = arith.constant 524287 : i32
    %and3A_445 = vector.broadcast %and3A_444 : i32 to vector<16xi32>
    %and3A_446 = arith.andi %get3A_443, %and3A_445 : vector<16xi32>
    %shift_left3A_447 = arith.constant 1 : i32
    %shift_left3A_448 = vector.broadcast %shift_left3A_447 : i32 to vector<16xi32>
    %shift_left3A_449 = arith.shli %and3A_446, %shift_left3A_448 : vector<16xi32>
    %shift_right_arithmetic3A_450 = arith.constant 19 : i32
    %shift_right_arithmetic3A_451 = vector.broadcast %shift_right_arithmetic3A_450 : i32 to vector<16xi32>
    %shift_right_arithmetic3A_452 = arith.shrsi %get3A_443, %shift_right_arithmetic3A_451 : vector<16xi32>
    %or3A_453 = arith.ori %shift_left3A_449, %shift_right_arithmetic3A_452 : vector<16xi32>
    %swap3A_454 = arith.constant 112 : index
    %swap3A_455 = tpu.vector_load %arg12[%swap3A_454] {strides = array<i32>} : memref<128xi32, #tpu.memory_space<vmem>>, vector<16xi32>,
    tpu.vector_store %arg12[%swap3A_454], %or3A_453 {strides = array<i32>} : memref<128xi32, #tpu.memory_space<vmem>>, vector<16xi32>,
    %dma_start3A_456 = arith.constant 0 : i32
    %dma_start3A_457 = arith.constant 0 : i32
    %dma_start3A_458 = tpu.memref_slice %arg2[%dma_start3A_456, %dma_start3A_457] : memref<1048576x64xf32, #tpu.memory_space<hbm>> -> memref<1048576x64xf32, #tpu.memory_space<hbm>>
    tpu.enqueue_indirect_dma source(%dma_start3A_458 : memref<1048576x64xf32, #tpu.memory_space<hbm>>) target(%arg8 : memref<128x64xf32, #tpu.memory_space<vmem>>) offsets(%arg12 : memref<128xi32, #tpu.memory_space<vmem>>) semaphore(%arg18 : memref<!tpu.dma_semaphore, #tpu.memory_space<semaphore_mem>>)
    %get3A_459 = arith.constant 0 : i32
    %get3A_460 = arith.constant 3 : i32
    %get3A_461 = arith.index_cast %get3A_459 : i32 to index
    %get3A_462 = arith.index_cast %get3A_460 : i32 to index
    %get3A_463 = arith.constant 0 : index
    %get3A_464 = tpu.vector_load %arg5[%get3A_461, %get3A_462, %get3A_463] {strides = array<i32>} : memref<25x8x128xi32, #tpu.memory_space<vmem>>, vector<16xi32>,
    %and3A_465 = arith.constant 524287 : i32
    %and3A_466 = vector.broadcast %and3A_465 : i32 to vector<16xi32>
    %and3A_467 = arith.andi %get3A_464, %and3A_466 : vector<16xi32>
    %shift_left3A_468 = arith.constant 1 : i32
    %shift_left3A_469 = vector.broadcast %shift_left3A_468 : i32 to vector<16xi32>
    %shift_left3A_470 = arith.shli %and3A_467, %shift_left3A_469 : vector<16xi32>
    %shift_right_arithmetic3A_471 = arith.constant 19 : i32
    %shift_right_arithmetic3A_472 = vector.broadcast %shift_right_arithmetic3A_471 : i32 to vector<16xi32>
    %shift_right_arithmetic3A_473 = arith.shrsi %get3A_464, %shift_right_arithmetic3A_472 : vector<16xi32>
    %or3A_474 = arith.ori %shift_left3A_470, %shift_right_arithmetic3A_473 : vector<16xi32>
    %swap3A_475 = arith.constant 0 : index
    %swap3A_476 = tpu.vector_load %arg13[%swap3A_475] {strides = array<i32>} : memref<128xi32, #tpu.memory_space<vmem>>, vector<16xi32>,
    tpu.vector_store %arg13[%swap3A_475], %or3A_474 {strides = array<i32>} : memref<128xi32, #tpu.memory_space<vmem>>, vector<16xi32>,
    %get3A_477 = arith.constant 0 : i32
    %get3A_478 = arith.constant 3 : i32
    %get3A_479 = arith.index_cast %get3A_477 : i32 to index
    %get3A_480 = arith.index_cast %get3A_478 : i32 to index
    %get3A_481 = arith.constant 16 : index
    %get3A_482 = tpu.vector_load %arg5[%get3A_479, %get3A_480, %get3A_481] {strides = array<i32>} : memref<25x8x128xi32, #tpu.memory_space<vmem>>, vector<16xi32>,
    %and3A_483 = arith.constant 524287 : i32
    %and3A_484 = vector.broadcast %and3A_483 : i32 to vector<16xi32>
    %and3A_485 = arith.andi %get3A_482, %and3A_484 : vector<16xi32>
    %shift_left3A_486 = arith.constant 1 : i32
    %shift_left3A_487 = vector.broadcast %shift_left3A_486 : i32 to vector<16xi32>
    %shift_left3A_488 = arith.shli %and3A_485, %shift_left3A_487 : vector<16xi32>
    %shift_right_arithmetic3A_489 = arith.constant 19 : i32
    %shift_right_arithmetic3A_490 = vector.broadcast %shift_right_arithmetic3A_489 : i32 to vector<16xi32>
    %shift_right_arithmetic3A_491 = arith.shrsi %get3A_482, %shift_right_arithmetic3A_490 : vector<16xi32>
    %or3A_492 = arith.ori %shift_left3A_488, %shift_right_arithmetic3A_491 : vector<16xi32>
    %swap3A_493 = arith.constant 16 : index
    %swap3A_494 = tpu.vector_load %arg13[%swap3A_493] {strides = array<i32>} : memref<128xi32, #tpu.memory_space<vmem>>, vector<16xi32>,
    tpu.vector_store %arg13[%swap3A_493], %or3A_492 {strides = array<i32>} : memref<128xi32, #tpu.memory_space<vmem>>, vector<16xi32>,
    %get3A_495 = arith.constant 0 : i32
    %get3A_496 = arith.constant 3 : i32
    %get3A_497 = arith.index_cast %get3A_495 : i32 to index
    %get3A_498 = arith.index_cast %get3A_496 : i32 to index
    %get3A_499 = arith.constant 32 : index
    %get3A_500 = tpu.vector_load %arg5[%get3A_497, %get3A_498, %get3A_499] {strides = array<i32>} : memref<25x8x128xi32, #tpu.memory_space<vmem>>, vector<16xi32>,
    %and3A_501 = arith.constant 524287 : i32
    %and3A_502 = vector.broadcast %and3A_501 : i32 to vector<16xi32>
    %and3A_503 = arith.andi %get3A_500, %and3A_502 : vector<16xi32>
    %shift_left3A_504 = arith.constant 1 : i32
    %shift_left3A_505 = vector.broadcast %shift_left3A_504 : i32 to vector<16xi32>
    %shift_left3A_506 = arith.shli %and3A_503, %shift_left3A_505 : vector<16xi32>
    %shift_right_arithmetic3A_507 = arith.constant 19 : i32
    %shift_right_arithmetic3A_508 = vector.broadcast %shift_right_arithmetic3A_507 : i32 to vector<16xi32>
    %shift_right_arithmetic3A_509 = arith.shrsi %get3A_500, %shift_right_arithmetic3A_508 : vector<16xi32>
    %or3A_510 = arith.ori %shift_left3A_506, %shift_right_arithmetic3A_509 : vector<16xi32>
    %swap3A_511 = arith.constant 32 : index
    %swap3A_512 = tpu.vector_load %arg13[%swap3A_511] {strides = array<i32>} : memref<128xi32, #tpu.memory_space<vmem>>, vector<16xi32>,
    tpu.vector_store %arg13[%swap3A_511], %or3A_510 {strides = array<i32>} : memref<128xi32, #tpu.memory_space<vmem>>, vector<16xi32>,
    %get3A_513 = arith.constant 0 : i32
    %get3A_514 = arith.constant 3 : i32
    %get3A_515 = arith.index_cast %get3A_513 : i32 to index
    %get3A_516 = arith.index_cast %get3A_514 : i32 to index
    %get3A_517 = arith.constant 48 : index
    %get3A_518 = tpu.vector_load %arg5[%get3A_515, %get3A_516, %get3A_517] {strides = array<i32>} : memref<25x8x128xi32, #tpu.memory_space<vmem>>, vector<16xi32>,
    %and3A_519 = arith.constant 524287 : i32
    %and3A_520 = vector.broadcast %and3A_519 : i32 to vector<16xi32>
    %and3A_521 = arith.andi %get3A_518, %and3A_520 : vector<16xi32>
    %shift_left3A_522 = arith.constant 1 : i32
    %shift_left3A_523 = vector.broadcast %shift_left3A_522 : i32 to vector<16xi32>
    %shift_left3A_524 = arith.shli %and3A_521, %shift_left3A_523 : vector<16xi32>
    %shift_right_arithmetic3A_525 = arith.constant 19 : i32
    %shift_right_arithmetic3A_526 = vector.broadcast %shift_right_arithmetic3A_525 : i32 to vector<16xi32>
    %shift_right_arithmetic3A_527 = arith.shrsi %get3A_518, %shift_right_arithmetic3A_526 : vector<16xi32>
    %or3A_528 = arith.ori %shift_left3A_524, %shift_right_arithmetic3A_527 : vector<16xi32>
    %swap3A_529 = arith.constant 48 : index
    %swap3A_530 = tpu.vector_load %arg13[%swap3A_529] {strides = array<i32>} : memref<128xi32, #tpu.memory_space<vmem>>, vector<16xi32>,
    tpu.vector_store %arg13[%swap3A_529], %or3A_528 {strides = array<i32>} : memref<128xi32, #tpu.memory_space<vmem>>, vector<16xi32>,
    %get3A_531 = arith.constant 0 : i32
    %get3A_532 = arith.constant 3 : i32
    %get3A_533 = arith.index_cast %get3A_531 : i32 to index
    %get3A_534 = arith.index_cast %get3A_532 : i32 to index
    %get3A_535 = arith.constant 64 : index
    %get3A_536 = tpu.vector_load %arg5[%get3A_533, %get3A_534, %get3A_535] {strides = array<i32>} : memref<25x8x128xi32, #tpu.memory_space<vmem>>, vector<16xi32>,
    %and3A_537 = arith.constant 524287 : i32
    %and3A_538 = vector.broadcast %and3A_537 : i32 to vector<16xi32>
    %and3A_539 = arith.andi %get3A_536, %and3A_538 : vector<16xi32>
    %shift_left3A_540 = arith.constant 1 : i32
    %shift_left3A_541 = vector.broadcast %shift_left3A_540 : i32 to vector<16xi32>
    %shift_left3A_542 = arith.shli %and3A_539, %shift_left3A_541 : vector<16xi32>
    %shift_right_arithmetic3A_543 = arith.constant 19 : i32
    %shift_right_arithmetic3A_544 = vector.broadcast %shift_right_arithmetic3A_543 : i32 to vector<16xi32>
    %shift_right_arithmetic3A_545 = arith.shrsi %get3A_536, %shift_right_arithmetic3A_544 : vector<16xi32>
    %or3A_546 = arith.ori %shift_left3A_542, %shift_right_arithmetic3A_545 : vector<16xi32>
    %swap3A_547 = arith.constant 64 : index
    %swap3A_548 = tpu.vector_load %arg13[%swap3A_547] {strides = array<i32>} : memref<128xi32, #tpu.memory_space<vmem>>, vector<16xi32>,
    tpu.vector_store %arg13[%swap3A_547], %or3A_546 {strides = array<i32>} : memref<128xi32, #tpu.memory_space<vmem>>, vector<16xi32>,
    %get3A_549 = arith.constant 0 : i32
    %get3A_550 = arith.constant 3 : i32
    %get3A_551 = arith.index_cast %get3A_549 : i32 to index
    %get3A_552 = arith.index_cast %get3A_550 : i32 to index
    %get3A_553 = arith.constant 80 : index
    %get3A_554 = tpu.vector_load %arg5[%get3A_551, %get3A_552, %get3A_553] {strides = array<i32>} : memref<25x8x128xi32, #tpu.memory_space<vmem>>, vector<16xi32>,
    %and3A_555 = arith.constant 524287 : i32
    %and3A_556 = vector.broadcast %and3A_555 : i32 to vector<16xi32>
    %and3A_557 = arith.andi %get3A_554, %and3A_556 : vector<16xi32>
    %shift_left3A_558 = arith.constant 1 : i32
    %shift_left3A_559 = vector.broadcast %shift_left3A_558 : i32 to vector<16xi32>
    %shift_left3A_560 = arith.shli %and3A_557, %shift_left3A_559 : vector<16xi32>
    %shift_right_arithmetic3A_561 = arith.constant 19 : i32
    %shift_right_arithmetic3A_562 = vector.broadcast %shift_right_arithmetic3A_561 : i32 to vector<16xi32>
    %shift_right_arithmetic3A_563 = arith.shrsi %get3A_554, %shift_right_arithmetic3A_562 : vector<16xi32>
    %or3A_564 = arith.ori %shift_left3A_560, %shift_right_arithmetic3A_563 : vector<16xi32>
    %swap3A_565 = arith.constant 80 : index
    %swap3A_566 = tpu.vector_load %arg13[%swap3A_565] {strides = array<i32>} : memref<128xi32, #tpu.memory_space<vmem>>, vector<16xi32>,
    tpu.vector_store %arg13[%swap3A_565], %or3A_564 {strides = array<i32>} : memref<128xi32, #tpu.memory_space<vmem>>, vector<16xi32>,
    %get3A_567 = arith.constant 0 : i32
    %get3A_568 = arith.constant 3 : i32
    %get3A_569 = arith.index_cast %get3A_567 : i32 to index
    %get3A_570 = arith.index_cast %get3A_568 : i32 to index
    %get3A_571 = arith.constant 96 : index
    %get3A_572 = tpu.vector_load %arg5[%get3A_569, %get3A_570, %get3A_571] {strides = array<i32>} : memref<25x8x128xi32, #tpu.memory_space<vmem>>, vector<16xi32>,
    %and3A_573 = arith.constant 524287 : i32
    %and3A_574 = vector.broadcast %and3A_573 : i32 to vector<16xi32>
    %and3A_575 = arith.andi %get3A_572, %and3A_574 : vector<16xi32>
    %shift_left3A_576 = arith.constant 1 : i32
    %shift_left3A_577 = vector.broadcast %shift_left3A_576 : i32 to vector<16xi32>
    %shift_left3A_578 = arith.shli %and3A_575, %shift_left3A_577 : vector<16xi32>
    %shift_right_arithmetic3A_579 = arith.constant 19 : i32
    %shift_right_arithmetic3A_580 = vector.broadcast %shift_right_arithmetic3A_579 : i32 to vector<16xi32>
    %shift_right_arithmetic3A_581 = arith.shrsi %get3A_572, %shift_right_arithmetic3A_580 : vector<16xi32>
    %or3A_582 = arith.ori %shift_left3A_578, %shift_right_arithmetic3A_581 : vector<16xi32>
    %swap3A_583 = arith.constant 96 : index
    %swap3A_584 = tpu.vector_load %arg13[%swap3A_583] {strides = array<i32>} : memref<128xi32, #tpu.memory_space<vmem>>, vector<16xi32>,
    tpu.vector_store %arg13[%swap3A_583], %or3A_582 {strides = array<i32>} : memref<128xi32, #tpu.memory_space<vmem>>, vector<16xi32>,
    %get3A_585 = arith.constant 0 : i32
    %get3A_586 = arith.constant 3 : i32
    %get3A_587 = arith.index_cast %get3A_585 : i32 to index
    %get3A_588 = arith.index_cast %get3A_586 : i32 to index
    %get3A_589 = arith.constant 112 : index
    %get3A_590 = tpu.vector_load %arg5[%get3A_587, %get3A_588, %get3A_589] {strides = array<i32>} : memref<25x8x128xi32, #tpu.memory_space<vmem>>, vector<16xi32>,
    %and3A_591 = arith.constant 524287 : i32
    %and3A_592 = vector.broadcast %and3A_591 : i32 to vector<16xi32>
    %and3A_593 = arith.andi %get3A_590, %and3A_592 : vector<16xi32>
    %shift_left3A_594 = arith.constant 1 : i32
    %shift_left3A_595 = vector.broadcast %shift_left3A_594 : i32 to vector<16xi32>
    %shift_left3A_596 = arith.shli %and3A_593, %shift_left3A_595 : vector<16xi32>
    %shift_right_arithmetic3A_597 = arith.constant 19 : i32
    %shift_right_arithmetic3A_598 = vector.broadcast %shift_right_arithmetic3A_597 : i32 to vector<16xi32>
    %shift_right_arithmetic3A_599 = arith.shrsi %get3A_590, %shift_right_arithmetic3A_598 : vector<16xi32>
    %or3A_600 = arith.ori %shift_left3A_596, %shift_right_arithmetic3A_599 : vector<16xi32>
    %swap3A_601 = arith.constant 112 : index
    %swap3A_602 = tpu.vector_load %arg13[%swap3A_601] {strides = array<i32>} : memref<128xi32, #tpu.memory_space<vmem>>, vector<16xi32>,
    tpu.vector_store %arg13[%swap3A_601], %or3A_600 {strides = array<i32>} : memref<128xi32, #tpu.memory_space<vmem>>, vector<16xi32>,
    %dma_start3A_603 = arith.constant 0 : i32
    %dma_start3A_604 = arith.constant 0 : i32
    %dma_start3A_605 = tpu.memref_slice %arg2[%dma_start3A_603, %dma_start3A_604] : memref<1048576x64xf32, #tpu.memory_space<hbm>> -> memref<1048576x64xf32, #tpu.memory_space<hbm>>
    tpu.enqueue_indirect_dma source(%dma_start3A_605 : memref<1048576x64xf32, #tpu.memory_space<hbm>>) target(%arg9 : memref<128x64xf32, #tpu.memory_space<vmem>>) offsets(%arg13 : memref<128xi32, #tpu.memory_space<vmem>>) semaphore(%arg19 : memref<!tpu.dma_semaphore, #tpu.memory_space<semaphore_mem>>)
    %scan3A = arith.constant 0 : i32
    %scan3A_606 = arith.constant 0 : i32
    %scan3A_607 = arith.constant 49 : i32
    %scan3A_608 = arith.addi %scan3A_606, %scan3A_607 : i32
    %scan3A_609 = arith.constant 1 : i32
    scf.for %scan3A_732 = %scan3A_606 to %scan3A_608 step %scan3A_609  : i32 {
      %mul3A_733 = arith.constant 4 : i32
      %mul3A_734 = arith.muli %mul3A_733, %scan3A_732 : i32
      %add3A_735 = arith.constant 0 : i32
      %add3A_736 = arith.addi %mul3A_734, %add3A_735 : i32
      %ge3A = arith.constant 2 : i32
      %ge3A_737 = arith.cmpi sge, %add3A_736, %ge3A : i32
      %convert_element_type3A = arith.extui %ge3A_737 : i1 to i32
      %cond3A = arith.constant 0 : i32
      %cond3A_738 = arith.cmpi ne, %convert_element_type3A, %cond3A : i32
      scf.if %cond3A_738 {
        %sub3A = arith.constant 2 : i32
        %sub3A_1478 = arith.subi %add3A_736, %sub3A : i32
        %dma_wait3A_1479 = arith.constant 0 : i32
        %dma_wait3A_1480 = arith.constant 0 : i32
        %dma_wait3A_1481 = arith.constant 0 : i32
        %dma_wait3A_1482 = tpu.memref_slice %arg4[%sub3A_1478, %dma_wait3A_1479, %add3A, %dma_wait3A_1480, %dma_wait3A_1481] : memref<200x8x32x8x128xf32, #tpu.memory_space<hbm>> -> memref<1x8x1x8x128xf32, #tpu.memory_space<hbm>>
        %dma_wait3A_1483 = tpu.memref_squeeze %dma_wait3A_1482 : memref<1x8x1x8x128xf32, #tpu.memory_space<hbm>> -> memref<8x8x128xf32, #tpu.memory_space<hbm>>
        %dma_wait3A_1484 = arith.constant 0 : i32
        %dma_wait3A_1485 = arith.constant 0 : i32
        %dma_wait3A_1486 = arith.constant 0 : i32
        %dma_wait3A_1487 = tpu.memref_slice %arg4[%sub3A_1478, %dma_wait3A_1484, %add3A, %dma_wait3A_1485, %dma_wait3A_1486] : memref<200x8x32x8x128xf32, #tpu.memory_space<hbm>> -> memref<1x8x1x8x128xf32, #tpu.memory_space<hbm>>
        %dma_wait3A_1488 = tpu.memref_squeeze %dma_wait3A_1487 : memref<1x8x1x8x128xf32, #tpu.memory_space<hbm>> -> memref<8x8x128xf32, #tpu.memory_space<hbm>>
        tpu.wait_dma2 semaphore(%arg20 : memref<!tpu.dma_semaphore, #tpu.memory_space<semaphore_mem>>) src(%arg14 : memref<8x8x128xf32, #tpu.memory_space<vmem>>) dst(%dma_wait3A_1488 : memref<8x8x128xf32, #tpu.memory_space<hbm>>)
      } else {
      }
      %dma_wait3A_739 = arith.constant 0 : i32
      %dma_wait3A_740 = arith.constant 0 : i32
      %dma_wait3A_741 = tpu.memref_slice %arg2[%dma_wait3A_739, %dma_wait3A_740] : memref<1048576x64xf32, #tpu.memory_space<hbm>> -> memref<1048576x64xf32, #tpu.memory_space<hbm>>
      tpu.wait_indirect_dma semaphore(%arg16 : memref<!tpu.dma_semaphore, #tpu.memory_space<semaphore_mem>>) src(%dma_wait3A_741 : memref<1048576x64xf32, #tpu.memory_space<hbm>>) dst(%arg6 : memref<128x64xf32, #tpu.memory_space<vmem>>)
      %dma_start3A_742 = arith.constant 0 : i32
      %dma_start3A_743 = arith.constant 0 : i32
      %dma_start3A_744 = arith.constant 0 : i32
      %dma_start3A_745 = tpu.memref_slice %arg4[%add3A_736, %dma_start3A_742, %add3A, %dma_start3A_743, %dma_start3A_744] : memref<200x8x32x8x128xf32, #tpu.memory_space<hbm>> -> memref<1x8x1x8x128xf32, #tpu.memory_space<hbm>>
      %dma_start3A_746 = tpu.memref_squeeze %dma_start3A_745 : memref<1x8x1x8x128xf32, #tpu.memory_space<hbm>> -> memref<8x8x128xf32, #tpu.memory_space<hbm>>
      %dma_start3A_747 = arith.constant 0 : i32
      %dma_start3A_748 = arith.constant 0 : i32
      %dma_start3A_749 = arith.constant 0 : i32
      %dma_start3A_750 = tpu.memref_slice %arg4[%add3A_736, %dma_start3A_747, %add3A, %dma_start3A_748, %dma_start3A_749] : memref<200x8x32x8x128xf32, #tpu.memory_space<hbm>> -> memref<1x8x1x8x128xf32, #tpu.memory_space<hbm>>
      %dma_start3A_751 = tpu.memref_squeeze %dma_start3A_750 : memref<1x8x1x8x128xf32, #tpu.memory_space<hbm>> -> memref<8x8x128xf32, #tpu.memory_space<hbm>>
      tpu.enqueue_dma source(%arg14 : memref<8x8x128xf32, #tpu.memory_space<vmem>>) target(%dma_start3A_751 : memref<8x8x128xf32, #tpu.memory_space<hbm>>) target_semaphore(%arg20 : memref<!tpu.dma_semaphore, #tpu.memory_space<semaphore_mem>>)
      %add3A_752 = arith.constant 4 : i32
      %add3A_753 = arith.addi %add3A_736, %add3A_752 : i32
      %shift_right_arithmetic3A_754 = arith.constant 3 : i32
      %shift_right_arithmetic3A_755 = arith.shrsi %add3A_753, %shift_right_arithmetic3A_754 : i32
      %and3A_756 = arith.constant 7 : i32
      %and3A_757 = arith.andi %add3A_753, %and3A_756 : i32
      %get3A_758 = arith.index_cast %shift_right_arithmetic3A_755 : i32 to index
      %get3A_759 = arith.index_cast %and3A_757 : i32 to index
      %get3A_760 = arith.constant 0 : index
      %get3A_761 = tpu.vector_load %arg5[%get3A_758, %get3A_759, %get3A_760] {strides = array<i32>} : memref<25x8x128xi32, #tpu.memory_space<vmem>>, vector<16xi32>,
      %and3A_762 = arith.constant 524287 : i32
      %and3A_763 = vector.broadcast %and3A_762 : i32 to vector<16xi32>
      %and3A_764 = arith.andi %get3A_761, %and3A_763 : vector<16xi32>
      %shift_left3A_765 = arith.constant 1 : i32
      %shift_left3A_766 = vector.broadcast %shift_left3A_765 : i32 to vector<16xi32>
      %shift_left3A_767 = arith.shli %and3A_764, %shift_left3A_766 : vector<16xi32>
      %shift_right_arithmetic3A_768 = arith.constant 19 : i32
      %shift_right_arithmetic3A_769 = vector.broadcast %shift_right_arithmetic3A_768 : i32 to vector<16xi32>
      %shift_right_arithmetic3A_770 = arith.shrsi %get3A_761, %shift_right_arithmetic3A_769 : vector<16xi32>
      %or3A_771 = arith.ori %shift_left3A_767, %shift_right_arithmetic3A_770 : vector<16xi32>
      %swap3A_772 = arith.constant 0 : index
      %swap3A_773 = tpu.vector_load %arg10[%swap3A_772] {strides = array<i32>} : memref<128xi32, #tpu.memory_space<vmem>>, vector<16xi32>,
      tpu.vector_store %arg10[%swap3A_772], %or3A_771 {strides = array<i32>} : memref<128xi32, #tpu.memory_space<vmem>>, vector<16xi32>,
      %shift_right_arithmetic3A_774 = arith.constant 3 : i32
      %shift_right_arithmetic3A_775 = arith.shrsi %add3A_753, %shift_right_arithmetic3A_774 : i32
      %and3A_776 = arith.constant 7 : i32
      %and3A_777 = arith.andi %add3A_753, %and3A_776 : i32
      %get3A_778 = arith.index_cast %shift_right_arithmetic3A_775 : i32 to index
      %get3A_779 = arith.index_cast %and3A_777 : i32 to index
      %get3A_780 = arith.constant 16 : index
      %get3A_781 = tpu.vector_load %arg5[%get3A_778, %get3A_779, %get3A_780] {strides = array<i32>} : memref<25x8x128xi32, #tpu.memory_space<vmem>>, vector<16xi32>,
      %and3A_782 = arith.constant 524287 : i32
      %and3A_783 = vector.broadcast %and3A_782 : i32 to vector<16xi32>
      %and3A_784 = arith.andi %get3A_781, %and3A_783 : vector<16xi32>
      %shift_left3A_785 = arith.constant 1 : i32
      %shift_left3A_786 = vector.broadcast %shift_left3A_785 : i32 to vector<16xi32>
      %shift_left3A_787 = arith.shli %and3A_784, %shift_left3A_786 : vector<16xi32>
      %shift_right_arithmetic3A_788 = arith.constant 19 : i32
      %shift_right_arithmetic3A_789 = vector.broadcast %shift_right_arithmetic3A_788 : i32 to vector<16xi32>
      %shift_right_arithmetic3A_790 = arith.shrsi %get3A_781, %shift_right_arithmetic3A_789 : vector<16xi32>
      %or3A_791 = arith.ori %shift_left3A_787, %shift_right_arithmetic3A_790 : vector<16xi32>
      %swap3A_792 = arith.constant 16 : index
      %swap3A_793 = tpu.vector_load %arg10[%swap3A_792] {strides = array<i32>} : memref<128xi32, #tpu.memory_space<vmem>>, vector<16xi32>,
      tpu.vector_store %arg10[%swap3A_792], %or3A_791 {strides = array<i32>} : memref<128xi32, #tpu.memory_space<vmem>>, vector<16xi32>,
      %shift_right_arithmetic3A_794 = arith.constant 3 : i32
      %shift_right_arithmetic3A_795 = arith.shrsi %add3A_753, %shift_right_arithmetic3A_794 : i32
      %and3A_796 = arith.constant 7 : i32
      %and3A_797 = arith.andi %add3A_753, %and3A_796 : i32
      %get3A_798 = arith.index_cast %shift_right_arithmetic3A_795 : i32 to index
      %get3A_799 = arith.index_cast %and3A_797 : i32 to index
      %get3A_800 = arith.constant 32 : index
      %get3A_801 = tpu.vector_load %arg5[%get3A_798, %get3A_799, %get3A_800] {strides = array<i32>} : memref<25x8x128xi32, #tpu.memory_space<vmem>>, vector<16xi32>,
      %and3A_802 = arith.constant 524287 : i32
      %and3A_803 = vector.broadcast %and3A_802 : i32 to vector<16xi32>
      %and3A_804 = arith.andi %get3A_801, %and3A_803 : vector<16xi32>
      %shift_left3A_805 = arith.constant 1 : i32
      %shift_left3A_806 = vector.broadcast %shift_left3A_805 : i32 to vector<16xi32>
      %shift_left3A_807 = arith.shli %and3A_804, %shift_left3A_806 : vector<16xi32>
      %shift_right_arithmetic3A_808 = arith.constant 19 : i32
      %shift_right_arithmetic3A_809 = vector.broadcast %shift_right_arithmetic3A_808 : i32 to vector<16xi32>
      %shift_right_arithmetic3A_810 = arith.shrsi %get3A_801, %shift_right_arithmetic3A_809 : vector<16xi32>
      %or3A_811 = arith.ori %shift_left3A_807, %shift_right_arithmetic3A_810 : vector<16xi32>
      %swap3A_812 = arith.constant 32 : index
      %swap3A_813 = tpu.vector_load %arg10[%swap3A_812] {strides = array<i32>} : memref<128xi32, #tpu.memory_space<vmem>>, vector<16xi32>,
      tpu.vector_store %arg10[%swap3A_812], %or3A_811 {strides = array<i32>} : memref<128xi32, #tpu.memory_space<vmem>>, vector<16xi32>,
      %shift_right_arithmetic3A_814 = arith.constant 3 : i32
      %shift_right_arithmetic3A_815 = arith.shrsi %add3A_753, %shift_right_arithmetic3A_814 : i32
      %and3A_816 = arith.constant 7 : i32
      %and3A_817 = arith.andi %add3A_753, %and3A_816 : i32
      %get3A_818 = arith.index_cast %shift_right_arithmetic3A_815 : i32 to index
      %get3A_819 = arith.index_cast %and3A_817 : i32 to index
      %get3A_820 = arith.constant 48 : index
      %get3A_821 = tpu.vector_load %arg5[%get3A_818, %get3A_819, %get3A_820] {strides = array<i32>} : memref<25x8x128xi32, #tpu.memory_space<vmem>>, vector<16xi32>,
      %and3A_822 = arith.constant 524287 : i32
      %and3A_823 = vector.broadcast %and3A_822 : i32 to vector<16xi32>
      %and3A_824 = arith.andi %get3A_821, %and3A_823 : vector<16xi32>
      %shift_left3A_825 = arith.constant 1 : i32
      %shift_left3A_826 = vector.broadcast %shift_left3A_825 : i32 to vector<16xi32>
      %shift_left3A_827 = arith.shli %and3A_824, %shift_left3A_826 : vector<16xi32>
      %shift_right_arithmetic3A_828 = arith.constant 19 : i32
      %shift_right_arithmetic3A_829 = vector.broadcast %shift_right_arithmetic3A_828 : i32 to vector<16xi32>
      %shift_right_arithmetic3A_830 = arith.shrsi %get3A_821, %shift_right_arithmetic3A_829 : vector<16xi32>
      %or3A_831 = arith.ori %shift_left3A_827, %shift_right_arithmetic3A_830 : vector<16xi32>
      %swap3A_832 = arith.constant 48 : index
      %swap3A_833 = tpu.vector_load %arg10[%swap3A_832] {strides = array<i32>} : memref<128xi32, #tpu.memory_space<vmem>>, vector<16xi32>,
      tpu.vector_store %arg10[%swap3A_832], %or3A_831 {strides = array<i32>} : memref<128xi32, #tpu.memory_space<vmem>>, vector<16xi32>,
      %shift_right_arithmetic3A_834 = arith.constant 3 : i32
      %shift_right_arithmetic3A_835 = arith.shrsi %add3A_753, %shift_right_arithmetic3A_834 : i32
      %and3A_836 = arith.constant 7 : i32
      %and3A_837 = arith.andi %add3A_753, %and3A_836 : i32
      %get3A_838 = arith.index_cast %shift_right_arithmetic3A_835 : i32 to index
      %get3A_839 = arith.index_cast %and3A_837 : i32 to index
      %get3A_840 = arith.constant 64 : index
      %get3A_841 = tpu.vector_load %arg5[%get3A_838, %get3A_839, %get3A_840] {strides = array<i32>} : memref<25x8x128xi32, #tpu.memory_space<vmem>>, vector<16xi32>,
      %and3A_842 = arith.constant 524287 : i32
      %and3A_843 = vector.broadcast %and3A_842 : i32 to vector<16xi32>
      %and3A_844 = arith.andi %get3A_841, %and3A_843 : vector<16xi32>
      %shift_left3A_845 = arith.constant 1 : i32
      %shift_left3A_846 = vector.broadcast %shift_left3A_845 : i32 to vector<16xi32>
      %shift_left3A_847 = arith.shli %and3A_844, %shift_left3A_846 : vector<16xi32>
      %shift_right_arithmetic3A_848 = arith.constant 19 : i32
      %shift_right_arithmetic3A_849 = vector.broadcast %shift_right_arithmetic3A_848 : i32 to vector<16xi32>
      %shift_right_arithmetic3A_850 = arith.shrsi %get3A_841, %shift_right_arithmetic3A_849 : vector<16xi32>
      %or3A_851 = arith.ori %shift_left3A_847, %shift_right_arithmetic3A_850 : vector<16xi32>
      %swap3A_852 = arith.constant 64 : index
      %swap3A_853 = tpu.vector_load %arg10[%swap3A_852] {strides = array<i32>} : memref<128xi32, #tpu.memory_space<vmem>>, vector<16xi32>,
      tpu.vector_store %arg10[%swap3A_852], %or3A_851 {strides = array<i32>} : memref<128xi32, #tpu.memory_space<vmem>>, vector<16xi32>,
      %shift_right_arithmetic3A_854 = arith.constant 3 : i32
      %shift_right_arithmetic3A_855 = arith.shrsi %add3A_753, %shift_right_arithmetic3A_854 : i32
      %and3A_856 = arith.constant 7 : i32
      %and3A_857 = arith.andi %add3A_753, %and3A_856 : i32
      %get3A_858 = arith.index_cast %shift_right_arithmetic3A_855 : i32 to index
      %get3A_859 = arith.index_cast %and3A_857 : i32 to index
      %get3A_860 = arith.constant 80 : index
      %get3A_861 = tpu.vector_load %arg5[%get3A_858, %get3A_859, %get3A_860] {strides = array<i32>} : memref<25x8x128xi32, #tpu.memory_space<vmem>>, vector<16xi32>,
      %and3A_862 = arith.constant 524287 : i32
      %and3A_863 = vector.broadcast %and3A_862 : i32 to vector<16xi32>
      %and3A_864 = arith.andi %get3A_861, %and3A_863 : vector<16xi32>
      %shift_left3A_865 = arith.constant 1 : i32
      %shift_left3A_866 = vector.broadcast %shift_left3A_865 : i32 to vector<16xi32>
      %shift_left3A_867 = arith.shli %and3A_864, %shift_left3A_866 : vector<16xi32>
      %shift_right_arithmetic3A_868 = arith.constant 19 : i32
      %shift_right_arithmetic3A_869 = vector.broadcast %shift_right_arithmetic3A_868 : i32 to vector<16xi32>
      %shift_right_arithmetic3A_870 = arith.shrsi %get3A_861, %shift_right_arithmetic3A_869 : vector<16xi32>
      %or3A_871 = arith.ori %shift_left3A_867, %shift_right_arithmetic3A_870 : vector<16xi32>
      %swap3A_872 = arith.constant 80 : index
      %swap3A_873 = tpu.vector_load %arg10[%swap3A_872] {strides = array<i32>} : memref<128xi32, #tpu.memory_space<vmem>>, vector<16xi32>,
      tpu.vector_store %arg10[%swap3A_872], %or3A_871 {strides = array<i32>} : memref<128xi32, #tpu.memory_space<vmem>>, vector<16xi32>,
      %shift_right_arithmetic3A_874 = arith.constant 3 : i32
      %shift_right_arithmetic3A_875 = arith.shrsi %add3A_753, %shift_right_arithmetic3A_874 : i32
      %and3A_876 = arith.constant 7 : i32
      %and3A_877 = arith.andi %add3A_753, %and3A_876 : i32
      %get3A_878 = arith.index_cast %shift_right_arithmetic3A_875 : i32 to index
      %get3A_879 = arith.index_cast %and3A_877 : i32 to index
      %get3A_880 = arith.constant 96 : index
      %get3A_881 = tpu.vector_load %arg5[%get3A_878, %get3A_879, %get3A_880] {strides = array<i32>} : memref<25x8x128xi32, #tpu.memory_space<vmem>>, vector<16xi32>,
      %and3A_882 = arith.constant 524287 : i32
      %and3A_883 = vector.broadcast %and3A_882 : i32 to vector<16xi32>
      %and3A_884 = arith.andi %get3A_881, %and3A_883 : vector<16xi32>
      %shift_left3A_885 = arith.constant 1 : i32
      %shift_left3A_886 = vector.broadcast %shift_left3A_885 : i32 to vector<16xi32>
      %shift_left3A_887 = arith.shli %and3A_884, %shift_left3A_886 : vector<16xi32>
      %shift_right_arithmetic3A_888 = arith.constant 19 : i32
      %shift_right_arithmetic3A_889 = vector.broadcast %shift_right_arithmetic3A_888 : i32 to vector<16xi32>
      %shift_right_arithmetic3A_890 = arith.shrsi %get3A_881, %shift_right_arithmetic3A_889 : vector<16xi32>
      %or3A_891 = arith.ori %shift_left3A_887, %shift_right_arithmetic3A_890 : vector<16xi32>
      %swap3A_892 = arith.constant 96 : index
      %swap3A_893 = tpu.vector_load %arg10[%swap3A_892] {strides = array<i32>} : memref<128xi32, #tpu.memory_space<vmem>>, vector<16xi32>,
      tpu.vector_store %arg10[%swap3A_892], %or3A_891 {strides = array<i32>} : memref<128xi32, #tpu.memory_space<vmem>>, vector<16xi32>,
      %shift_right_arithmetic3A_894 = arith.constant 3 : i32
      %shift_right_arithmetic3A_895 = arith.shrsi %add3A_753, %shift_right_arithmetic3A_894 : i32
      %and3A_896 = arith.constant 7 : i32
      %and3A_897 = arith.andi %add3A_753, %and3A_896 : i32
      %get3A_898 = arith.index_cast %shift_right_arithmetic3A_895 : i32 to index
      %get3A_899 = arith.index_cast %and3A_897 : i32 to index
      %get3A_900 = arith.constant 112 : index
      %get3A_901 = tpu.vector_load %arg5[%get3A_898, %get3A_899, %get3A_900] {strides = array<i32>} : memref<25x8x128xi32, #tpu.memory_space<vmem>>, vector<16xi32>,
      %and3A_902 = arith.constant 524287 : i32
      %and3A_903 = vector.broadcast %and3A_902 : i32 to vector<16xi32>
      %and3A_904 = arith.andi %get3A_901, %and3A_903 : vector<16xi32>
      %shift_left3A_905 = arith.constant 1 : i32
      %shift_left3A_906 = vector.broadcast %shift_left3A_905 : i32 to vector<16xi32>
      %shift_left3A_907 = arith.shli %and3A_904, %shift_left3A_906 : vector<16xi32>
      %shift_right_arithmetic3A_908 = arith.constant 19 : i32
      %shift_right_arithmetic3A_909 = vector.broadcast %shift_right_arithmetic3A_908 : i32 to vector<16xi32>
      %shift_right_arithmetic3A_910 = arith.shrsi %get3A_901, %shift_right_arithmetic3A_909 : vector<16xi32>
      %or3A_911 = arith.ori %shift_left3A_907, %shift_right_arithmetic3A_910 : vector<16xi32>
      %swap3A_912 = arith.constant 112 : index
      %swap3A_913 = tpu.vector_load %arg10[%swap3A_912] {strides = array<i32>} : memref<128xi32, #tpu.memory_space<vmem>>, vector<16xi32>,
      tpu.vector_store %arg10[%swap3A_912], %or3A_911 {strides = array<i32>} : memref<128xi32, #tpu.memory_space<vmem>>, vector<16xi32>,
      %dma_start3A_914 = arith.constant 0 : i32
      %dma_start3A_915 = arith.constant 0 : i32
      %dma_start3A_916 = tpu.memref_slice %arg2[%dma_start3A_914, %dma_start3A_915] : memref<1048576x64xf32, #tpu.memory_space<hbm>> -> memref<1048576x64xf32, #tpu.memory_space<hbm>>
      tpu.enqueue_indirect_dma source(%dma_start3A_916 : memref<1048576x64xf32, #tpu.memory_space<hbm>>) target(%arg6 : memref<128x64xf32, #tpu.memory_space<vmem>>) offsets(%arg10 : memref<128xi32, #tpu.memory_space<vmem>>) semaphore(%arg16 : memref<!tpu.dma_semaphore, #tpu.memory_space<semaphore_mem>>)
      %mul3A_917 = arith.constant 4 : i32
      %mul3A_918 = arith.muli %mul3A_917, %scan3A_732 : i32
      %add3A_919 = arith.constant 1 : i32
      %add3A_920 = arith.addi %mul3A_918, %add3A_919 : i32
      %ge3A_921 = arith.constant 2 : i32
      %ge3A_922 = arith.cmpi sge, %add3A_920, %ge3A_921 : i32
      %convert_element_type3A_923 = arith.extui %ge3A_922 : i1 to i32
      %cond3A_924 = arith.constant 0 : i32
      %cond3A_925 = arith.cmpi ne, %convert_element_type3A_923, %cond3A_924 : i32
      scf.if %cond3A_925 {
        %sub3A = arith.constant 2 : i32
        %sub3A_1478 = arith.subi %add3A_920, %sub3A : i32
        %dma_wait3A_1479 = arith.constant 0 : i32
        %dma_wait3A_1480 = arith.constant 0 : i32
        %dma_wait3A_1481 = arith.constant 0 : i32
        %dma_wait3A_1482 = tpu.memref_slice %arg4[%sub3A_1478, %dma_wait3A_1479, %add3A, %dma_wait3A_1480, %dma_wait3A_1481] : memref<200x8x32x8x128xf32, #tpu.memory_space<hbm>> -> memref<1x8x1x8x128xf32, #tpu.memory_space<hbm>>
        %dma_wait3A_1483 = tpu.memref_squeeze %dma_wait3A_1482 : memref<1x8x1x8x128xf32, #tpu.memory_space<hbm>> -> memref<8x8x128xf32, #tpu.memory_space<hbm>>
        %dma_wait3A_1484 = arith.constant 0 : i32
        %dma_wait3A_1485 = arith.constant 0 : i32
        %dma_wait3A_1486 = arith.constant 0 : i32
        %dma_wait3A_1487 = tpu.memref_slice %arg4[%sub3A_1478, %dma_wait3A_1484, %add3A, %dma_wait3A_1485, %dma_wait3A_1486] : memref<200x8x32x8x128xf32, #tpu.memory_space<hbm>> -> memref<1x8x1x8x128xf32, #tpu.memory_space<hbm>>
        %dma_wait3A_1488 = tpu.memref_squeeze %dma_wait3A_1487 : memref<1x8x1x8x128xf32, #tpu.memory_space<hbm>> -> memref<8x8x128xf32, #tpu.memory_space<hbm>>
        tpu.wait_dma2 semaphore(%arg21 : memref<!tpu.dma_semaphore, #tpu.memory_space<semaphore_mem>>) src(%arg15 : memref<8x8x128xf32, #tpu.memory_space<vmem>>) dst(%dma_wait3A_1488 : memref<8x8x128xf32, #tpu.memory_space<hbm>>)
      } else {
      }
      %dma_wait3A_926 = arith.constant 0 : i32
      %dma_wait3A_927 = arith.constant 0 : i32
      %dma_wait3A_928 = tpu.memref_slice %arg2[%dma_wait3A_926, %dma_wait3A_927] : memref<1048576x64xf32, #tpu.memory_space<hbm>> -> memref<1048576x64xf32, #tpu.memory_space<hbm>>
      tpu.wait_indirect_dma semaphore(%arg17 : memref<!tpu.dma_semaphore, #tpu.memory_space<semaphore_mem>>) src(%dma_wait3A_928 : memref<1048576x64xf32, #tpu.memory_space<hbm>>) dst(%arg7 : memref<128x64xf32, #tpu.memory_space<vmem>>)
      %dma_start3A_929 = arith.constant 0 : i32
      %dma_start3A_930 = arith.constant 0 : i32
      %dma_start3A_931 = arith.constant 0 : i32
      %dma_start3A_932 = tpu.memref_slice %arg4[%add3A_920, %dma_start3A_929, %add3A, %dma_start3A_930, %dma_start3A_931] : memref<200x8x32x8x128xf32, #tpu.memory_space<hbm>> -> memref<1x8x1x8x128xf32, #tpu.memory_space<hbm>>
      %dma_start3A_933 = tpu.memref_squeeze %dma_start3A_932 : memref<1x8x1x8x128xf32, #tpu.memory_space<hbm>> -> memref<8x8x128xf32, #tpu.memory_space<hbm>>
      %dma_start3A_934 = arith.constant 0 : i32
      %dma_start3A_935 = arith.constant 0 : i32
      %dma_start3A_936 = arith.constant 0 : i32
      %dma_start3A_937 = tpu.memref_slice %arg4[%add3A_920, %dma_start3A_934, %add3A, %dma_start3A_935, %dma_start3A_936] : memref<200x8x32x8x128xf32, #tpu.memory_space<hbm>> -> memref<1x8x1x8x128xf32, #tpu.memory_space<hbm>>
      %dma_start3A_938 = tpu.memref_squeeze %dma_start3A_937 : memref<1x8x1x8x128xf32, #tpu.memory_space<hbm>> -> memref<8x8x128xf32, #tpu.memory_space<hbm>>
      tpu.enqueue_dma source(%arg15 : memref<8x8x128xf32, #tpu.memory_space<vmem>>) target(%dma_start3A_938 : memref<8x8x128xf32, #tpu.memory_space<hbm>>) target_semaphore(%arg21 : memref<!tpu.dma_semaphore, #tpu.memory_space<semaphore_mem>>)
      %add3A_939 = arith.constant 4 : i32
      %add3A_940 = arith.addi %add3A_920, %add3A_939 : i32
      %shift_right_arithmetic3A_941 = arith.constant 3 : i32
      %shift_right_arithmetic3A_942 = arith.shrsi %add3A_940, %shift_right_arithmetic3A_941 : i32
      %and3A_943 = arith.constant 7 : i32
      %and3A_944 = arith.andi %add3A_940, %and3A_943 : i32
      %get3A_945 = arith.index_cast %shift_right_arithmetic3A_942 : i32 to index
      %get3A_946 = arith.index_cast %and3A_944 : i32 to index
      %get3A_947 = arith.constant 0 : index
      %get3A_948 = tpu.vector_load %arg5[%get3A_945, %get3A_946, %get3A_947] {strides = array<i32>} : memref<25x8x128xi32, #tpu.memory_space<vmem>>, vector<16xi32>,
      %and3A_949 = arith.constant 524287 : i32
      %and3A_950 = vector.broadcast %and3A_949 : i32 to vector<16xi32>
      %and3A_951 = arith.andi %get3A_948, %and3A_950 : vector<16xi32>
      %shift_left3A_952 = arith.constant 1 : i32
      %shift_left3A_953 = vector.broadcast %shift_left3A_952 : i32 to vector<16xi32>
      %shift_left3A_954 = arith.shli %and3A_951, %shift_left3A_953 : vector<16xi32>
      %shift_right_arithmetic3A_955 = arith.constant 19 : i32
      %shift_right_arithmetic3A_956 = vector.broadcast %shift_right_arithmetic3A_955 : i32 to vector<16xi32>
      %shift_right_arithmetic3A_957 = arith.shrsi %get3A_948, %shift_right_arithmetic3A_956 : vector<16xi32>
      %or3A_958 = arith.ori %shift_left3A_954, %shift_right_arithmetic3A_957 : vector<16xi32>
      %swap3A_959 = arith.constant 0 : index
      %swap3A_960 = tpu.vector_load %arg11[%swap3A_959] {strides = array<i32>} : memref<128xi32, #tpu.memory_space<vmem>>, vector<16xi32>,
      tpu.vector_store %arg11[%swap3A_959], %or3A_958 {strides = array<i32>} : memref<128xi32, #tpu.memory_space<vmem>>, vector<16xi32>,
      %shift_right_arithmetic3A_961 = arith.constant 3 : i32
      %shift_right_arithmetic3A_962 = arith.shrsi %add3A_940, %shift_right_arithmetic3A_961 : i32
      %and3A_963 = arith.constant 7 : i32
      %and3A_964 = arith.andi %add3A_940, %and3A_963 : i32
      %get3A_965 = arith.index_cast %shift_right_arithmetic3A_962 : i32 to index
      %get3A_966 = arith.index_cast %and3A_964 : i32 to index
      %get3A_967 = arith.constant 16 : index
      %get3A_968 = tpu.vector_load %arg5[%get3A_965, %get3A_966, %get3A_967] {strides = array<i32>} : memref<25x8x128xi32, #tpu.memory_space<vmem>>, vector<16xi32>,
      %and3A_969 = arith.constant 524287 : i32
      %and3A_970 = vector.broadcast %and3A_969 : i32 to vector<16xi32>
      %and3A_971 = arith.andi %get3A_968, %and3A_970 : vector<16xi32>
      %shift_left3A_972 = arith.constant 1 : i32
      %shift_left3A_973 = vector.broadcast %shift_left3A_972 : i32 to vector<16xi32>
      %shift_left3A_974 = arith.shli %and3A_971, %shift_left3A_973 : vector<16xi32>
      %shift_right_arithmetic3A_975 = arith.constant 19 : i32
      %shift_right_arithmetic3A_976 = vector.broadcast %shift_right_arithmetic3A_975 : i32 to vector<16xi32>
      %shift_right_arithmetic3A_977 = arith.shrsi %get3A_968, %shift_right_arithmetic3A_976 : vector<16xi32>
      %or3A_978 = arith.ori %shift_left3A_974, %shift_right_arithmetic3A_977 : vector<16xi32>
      %swap3A_979 = arith.constant 16 : index
      %swap3A_980 = tpu.vector_load %arg11[%swap3A_979] {strides = array<i32>} : memref<128xi32, #tpu.memory_space<vmem>>, vector<16xi32>,
      tpu.vector_store %arg11[%swap3A_979], %or3A_978 {strides = array<i32>} : memref<128xi32, #tpu.memory_space<vmem>>, vector<16xi32>,
      %shift_right_arithmetic3A_981 = arith.constant 3 : i32
      %shift_right_arithmetic3A_982 = arith.shrsi %add3A_940, %shift_right_arithmetic3A_981 : i32
      %and3A_983 = arith.constant 7 : i32
      %and3A_984 = arith.andi %add3A_940, %and3A_983 : i32
      %get3A_985 = arith.index_cast %shift_right_arithmetic3A_982 : i32 to index
      %get3A_986 = arith.index_cast %and3A_984 : i32 to index
      %get3A_987 = arith.constant 32 : index
      %get3A_988 = tpu.vector_load %arg5[%get3A_985, %get3A_986, %get3A_987] {strides = array<i32>} : memref<25x8x128xi32, #tpu.memory_space<vmem>>, vector<16xi32>,
      %and3A_989 = arith.constant 524287 : i32
      %and3A_990 = vector.broadcast %and3A_989 : i32 to vector<16xi32>
      %and3A_991 = arith.andi %get3A_988, %and3A_990 : vector<16xi32>
      %shift_left3A_992 = arith.constant 1 : i32
      %shift_left3A_993 = vector.broadcast %shift_left3A_992 : i32 to vector<16xi32>
      %shift_left3A_994 = arith.shli %and3A_991, %shift_left3A_993 : vector<16xi32>
      %shift_right_arithmetic3A_995 = arith.constant 19 : i32
      %shift_right_arithmetic3A_996 = vector.broadcast %shift_right_arithmetic3A_995 : i32 to vector<16xi32>
      %shift_right_arithmetic3A_997 = arith.shrsi %get3A_988, %shift_right_arithmetic3A_996 : vector<16xi32>
      %or3A_998 = arith.ori %shift_left3A_994, %shift_right_arithmetic3A_997 : vector<16xi32>
      %swap3A_999 = arith.constant 32 : index
      %swap3A_1000 = tpu.vector_load %arg11[%swap3A_999] {strides = array<i32>} : memref<128xi32, #tpu.memory_space<vmem>>, vector<16xi32>,
      tpu.vector_store %arg11[%swap3A_999], %or3A_998 {strides = array<i32>} : memref<128xi32, #tpu.memory_space<vmem>>, vector<16xi32>,
      %shift_right_arithmetic3A_1001 = arith.constant 3 : i32
      %shift_right_arithmetic3A_1002 = arith.shrsi %add3A_940, %shift_right_arithmetic3A_1001 : i32
      %and3A_1003 = arith.constant 7 : i32
      %and3A_1004 = arith.andi %add3A_940, %and3A_1003 : i32
      %get3A_1005 = arith.index_cast %shift_right_arithmetic3A_1002 : i32 to index
      %get3A_1006 = arith.index_cast %and3A_1004 : i32 to index
      %get3A_1007 = arith.constant 48 : index
      %get3A_1008 = tpu.vector_load %arg5[%get3A_1005, %get3A_1006, %get3A_1007] {strides = array<i32>} : memref<25x8x128xi32, #tpu.memory_space<vmem>>, vector<16xi32>,
      %and3A_1009 = arith.constant 524287 : i32
      %and3A_1010 = vector.broadcast %and3A_1009 : i32 to vector<16xi32>
      %and3A_1011 = arith.andi %get3A_1008, %and3A_1010 : vector<16xi32>
      %shift_left3A_1012 = arith.constant 1 : i32
      %shift_left3A_1013 = vector.broadcast %shift_left3A_1012 : i32 to vector<16xi32>
      %shift_left3A_1014 = arith.shli %and3A_1011, %shift_left3A_1013 : vector<16xi32>
      %shift_right_arithmetic3A_1015 = arith.constant 19 : i32
      %shift_right_arithmetic3A_1016 = vector.broadcast %shift_right_arithmetic3A_1015 : i32 to vector<16xi32>
      %shift_right_arithmetic3A_1017 = arith.shrsi %get3A_1008, %shift_right_arithmetic3A_1016 : vector<16xi32>
      %or3A_1018 = arith.ori %shift_left3A_1014, %shift_right_arithmetic3A_1017 : vector<16xi32>
      %swap3A_1019 = arith.constant 48 : index
      %swap3A_1020 = tpu.vector_load %arg11[%swap3A_1019] {strides = array<i32>} : memref<128xi32, #tpu.memory_space<vmem>>, vector<16xi32>,
      tpu.vector_store %arg11[%swap3A_1019], %or3A_1018 {strides = array<i32>} : memref<128xi32, #tpu.memory_space<vmem>>, vector<16xi32>,
      %shift_right_arithmetic3A_1021 = arith.constant 3 : i32
      %shift_right_arithmetic3A_1022 = arith.shrsi %add3A_940, %shift_right_arithmetic3A_1021 : i32
      %and3A_1023 = arith.constant 7 : i32
      %and3A_1024 = arith.andi %add3A_940, %and3A_1023 : i32
      %get3A_1025 = arith.index_cast %shift_right_arithmetic3A_1022 : i32 to index
      %get3A_1026 = arith.index_cast %and3A_1024 : i32 to index
      %get3A_1027 = arith.constant 64 : index
      %get3A_1028 = tpu.vector_load %arg5[%get3A_1025, %get3A_1026, %get3A_1027] {strides = array<i32>} : memref<25x8x128xi32, #tpu.memory_space<vmem>>, vector<16xi32>,
      %and3A_1029 = arith.constant 524287 : i32
      %and3A_1030 = vector.broadcast %and3A_1029 : i32 to vector<16xi32>
      %and3A_1031 = arith.andi %get3A_1028, %and3A_1030 : vector<16xi32>
      %shift_left3A_1032 = arith.constant 1 : i32
      %shift_left3A_1033 = vector.broadcast %shift_left3A_1032 : i32 to vector<16xi32>
      %shift_left3A_1034 = arith.shli %and3A_1031, %shift_left3A_1033 : vector<16xi32>
      %shift_right_arithmetic3A_1035 = arith.constant 19 : i32
      %shift_right_arithmetic3A_1036 = vector.broadcast %shift_right_arithmetic3A_1035 : i32 to vector<16xi32>
      %shift_right_arithmetic3A_1037 = arith.shrsi %get3A_1028, %shift_right_arithmetic3A_1036 : vector<16xi32>
      %or3A_1038 = arith.ori %shift_left3A_1034, %shift_right_arithmetic3A_1037 : vector<16xi32>
      %swap3A_1039 = arith.constant 64 : index
      %swap3A_1040 = tpu.vector_load %arg11[%swap3A_1039] {strides = array<i32>} : memref<128xi32, #tpu.memory_space<vmem>>, vector<16xi32>,
      tpu.vector_store %arg11[%swap3A_1039], %or3A_1038 {strides = array<i32>} : memref<128xi32, #tpu.memory_space<vmem>>, vector<16xi32>,
      %shift_right_arithmetic3A_1041 = arith.constant 3 : i32
      %shift_right_arithmetic3A_1042 = arith.shrsi %add3A_940, %shift_right_arithmetic3A_1041 : i32
      %and3A_1043 = arith.constant 7 : i32
      %and3A_1044 = arith.andi %add3A_940, %and3A_1043 : i32
      %get3A_1045 = arith.index_cast %shift_right_arithmetic3A_1042 : i32 to index
      %get3A_1046 = arith.index_cast %and3A_1044 : i32 to index
      %get3A_1047 = arith.constant 80 : index
      %get3A_1048 = tpu.vector_load %arg5[%get3A_1045, %get3A_1046, %get3A_1047] {strides = array<i32>} : memref<25x8x128xi32, #tpu.memory_space<vmem>>, vector<16xi32>,
      %and3A_1049 = arith.constant 524287 : i32
      %and3A_1050 = vector.broadcast %and3A_1049 : i32 to vector<16xi32>
      %and3A_1051 = arith.andi %get3A_1048, %and3A_1050 : vector<16xi32>
      %shift_left3A_1052 = arith.constant 1 : i32
      %shift_left3A_1053 = vector.broadcast %shift_left3A_1052 : i32 to vector<16xi32>
      %shift_left3A_1054 = arith.shli %and3A_1051, %shift_left3A_1053 : vector<16xi32>
      %shift_right_arithmetic3A_1055 = arith.constant 19 : i32
      %shift_right_arithmetic3A_1056 = vector.broadcast %shift_right_arithmetic3A_1055 : i32 to vector<16xi32>
      %shift_right_arithmetic3A_1057 = arith.shrsi %get3A_1048, %shift_right_arithmetic3A_1056 : vector<16xi32>
      %or3A_1058 = arith.ori %shift_left3A_1054, %shift_right_arithmetic3A_1057 : vector<16xi32>
      %swap3A_1059 = arith.constant 80 : index
      %swap3A_1060 = tpu.vector_load %arg11[%swap3A_1059] {strides = array<i32>} : memref<128xi32, #tpu.memory_space<vmem>>, vector<16xi32>,
      tpu.vector_store %arg11[%swap3A_1059], %or3A_1058 {strides = array<i32>} : memref<128xi32, #tpu.memory_space<vmem>>, vector<16xi32>,
      %shift_right_arithmetic3A_1061 = arith.constant 3 : i32
      %shift_right_arithmetic3A_1062 = arith.shrsi %add3A_940, %shift_right_arithmetic3A_1061 : i32
      %and3A_1063 = arith.constant 7 : i32
      %and3A_1064 = arith.andi %add3A_940, %and3A_1063 : i32
      %get3A_1065 = arith.index_cast %shift_right_arithmetic3A_1062 : i32 to index
      %get3A_1066 = arith.index_cast %and3A_1064 : i32 to index
      %get3A_1067 = arith.constant 96 : index
      %get3A_1068 = tpu.vector_load %arg5[%get3A_1065, %get3A_1066, %get3A_1067] {strides = array<i32>} : memref<25x8x128xi32, #tpu.memory_space<vmem>>, vector<16xi32>,
      %and3A_1069 = arith.constant 524287 : i32
      %and3A_1070 = vector.broadcast %and3A_1069 : i32 to vector<16xi32>
      %and3A_1071 = arith.andi %get3A_1068, %and3A_1070 : vector<16xi32>
      %shift_left3A_1072 = arith.constant 1 : i32
      %shift_left3A_1073 = vector.broadcast %shift_left3A_1072 : i32 to vector<16xi32>
      %shift_left3A_1074 = arith.shli %and3A_1071, %shift_left3A_1073 : vector<16xi32>
      %shift_right_arithmetic3A_1075 = arith.constant 19 : i32
      %shift_right_arithmetic3A_1076 = vector.broadcast %shift_right_arithmetic3A_1075 : i32 to vector<16xi32>
      %shift_right_arithmetic3A_1077 = arith.shrsi %get3A_1068, %shift_right_arithmetic3A_1076 : vector<16xi32>
      %or3A_1078 = arith.ori %shift_left3A_1074, %shift_right_arithmetic3A_1077 : vector<16xi32>
      %swap3A_1079 = arith.constant 96 : index
      %swap3A_1080 = tpu.vector_load %arg11[%swap3A_1079] {strides = array<i32>} : memref<128xi32, #tpu.memory_space<vmem>>, vector<16xi32>,
      tpu.vector_store %arg11[%swap3A_1079], %or3A_1078 {strides = array<i32>} : memref<128xi32, #tpu.memory_space<vmem>>, vector<16xi32>,
      %shift_right_arithmetic3A_1081 = arith.constant 3 : i32
      %shift_right_arithmetic3A_1082 = arith.shrsi %add3A_940, %shift_right_arithmetic3A_1081 : i32
      %and3A_1083 = arith.constant 7 : i32
      %and3A_1084 = arith.andi %add3A_940, %and3A_1083 : i32
      %get3A_1085 = arith.index_cast %shift_right_arithmetic3A_1082 : i32 to index
      %get3A_1086 = arith.index_cast %and3A_1084 : i32 to index
      %get3A_1087 = arith.constant 112 : index
      %get3A_1088 = tpu.vector_load %arg5[%get3A_1085, %get3A_1086, %get3A_1087] {strides = array<i32>} : memref<25x8x128xi32, #tpu.memory_space<vmem>>, vector<16xi32>,
      %and3A_1089 = arith.constant 524287 : i32
      %and3A_1090 = vector.broadcast %and3A_1089 : i32 to vector<16xi32>
      %and3A_1091 = arith.andi %get3A_1088, %and3A_1090 : vector<16xi32>
      %shift_left3A_1092 = arith.constant 1 : i32
      %shift_left3A_1093 = vector.broadcast %shift_left3A_1092 : i32 to vector<16xi32>
      %shift_left3A_1094 = arith.shli %and3A_1091, %shift_left3A_1093 : vector<16xi32>
      %shift_right_arithmetic3A_1095 = arith.constant 19 : i32
      %shift_right_arithmetic3A_1096 = vector.broadcast %shift_right_arithmetic3A_1095 : i32 to vector<16xi32>
      %shift_right_arithmetic3A_1097 = arith.shrsi %get3A_1088, %shift_right_arithmetic3A_1096 : vector<16xi32>
      %or3A_1098 = arith.ori %shift_left3A_1094, %shift_right_arithmetic3A_1097 : vector<16xi32>
      %swap3A_1099 = arith.constant 112 : index
      %swap3A_1100 = tpu.vector_load %arg11[%swap3A_1099] {strides = array<i32>} : memref<128xi32, #tpu.memory_space<vmem>>, vector<16xi32>,
      tpu.vector_store %arg11[%swap3A_1099], %or3A_1098 {strides = array<i32>} : memref<128xi32, #tpu.memory_space<vmem>>, vector<16xi32>,
      %dma_start3A_1101 = arith.constant 0 : i32
      %dma_start3A_1102 = arith.constant 0 : i32
      %dma_start3A_1103 = tpu.memref_slice %arg2[%dma_start3A_1101, %dma_start3A_1102] : memref<1048576x64xf32, #tpu.memory_space<hbm>> -> memref<1048576x64xf32, #tpu.memory_space<hbm>>
      tpu.enqueue_indirect_dma source(%dma_start3A_1103 : memref<1048576x64xf32, #tpu.memory_space<hbm>>) target(%arg7 : memref<128x64xf32, #tpu.memory_space<vmem>>) offsets(%arg11 : memref<128xi32, #tpu.memory_space<vmem>>) semaphore(%arg17 : memref<!tpu.dma_semaphore, #tpu.memory_space<semaphore_mem>>)
      %mul3A_1104 = arith.constant 4 : i32
      %mul3A_1105 = arith.muli %mul3A_1104, %scan3A_732 : i32
      %add3A_1106 = arith.constant 2 : i32
      %add3A_1107 = arith.addi %mul3A_1105, %add3A_1106 : i32
      %ge3A_1108 = arith.constant 2 : i32
      %ge3A_1109 = arith.cmpi sge, %add3A_1107, %ge3A_1108 : i32
      %convert_element_type3A_1110 = arith.extui %ge3A_1109 : i1 to i32
      %cond3A_1111 = arith.constant 0 : i32
      %cond3A_1112 = arith.cmpi ne, %convert_element_type3A_1110, %cond3A_1111 : i32
      scf.if %cond3A_1112 {
        %sub3A = arith.constant 2 : i32
        %sub3A_1478 = arith.subi %add3A_1107, %sub3A : i32
        %dma_wait3A_1479 = arith.constant 0 : i32
        %dma_wait3A_1480 = arith.constant 0 : i32
        %dma_wait3A_1481 = arith.constant 0 : i32
        %dma_wait3A_1482 = tpu.memref_slice %arg4[%sub3A_1478, %dma_wait3A_1479, %add3A, %dma_wait3A_1480, %dma_wait3A_1481] : memref<200x8x32x8x128xf32, #tpu.memory_space<hbm>> -> memref<1x8x1x8x128xf32, #tpu.memory_space<hbm>>
        %dma_wait3A_1483 = tpu.memref_squeeze %dma_wait3A_1482 : memref<1x8x1x8x128xf32, #tpu.memory_space<hbm>> -> memref<8x8x128xf32, #tpu.memory_space<hbm>>
        %dma_wait3A_1484 = arith.constant 0 : i32
        %dma_wait3A_1485 = arith.constant 0 : i32
        %dma_wait3A_1486 = arith.constant 0 : i32
        %dma_wait3A_1487 = tpu.memref_slice %arg4[%sub3A_1478, %dma_wait3A_1484, %add3A, %dma_wait3A_1485, %dma_wait3A_1486] : memref<200x8x32x8x128xf32, #tpu.memory_space<hbm>> -> memref<1x8x1x8x128xf32, #tpu.memory_space<hbm>>
        %dma_wait3A_1488 = tpu.memref_squeeze %dma_wait3A_1487 : memref<1x8x1x8x128xf32, #tpu.memory_space<hbm>> -> memref<8x8x128xf32, #tpu.memory_space<hbm>>
        tpu.wait_dma2 semaphore(%arg20 : memref<!tpu.dma_semaphore, #tpu.memory_space<semaphore_mem>>) src(%arg14 : memref<8x8x128xf32, #tpu.memory_space<vmem>>) dst(%dma_wait3A_1488 : memref<8x8x128xf32, #tpu.memory_space<hbm>>)
      } else {
      }
      %dma_wait3A_1113 = arith.constant 0 : i32
      %dma_wait3A_1114 = arith.constant 0 : i32
      %dma_wait3A_1115 = tpu.memref_slice %arg2[%dma_wait3A_1113, %dma_wait3A_1114] : memref<1048576x64xf32, #tpu.memory_space<hbm>> -> memref<1048576x64xf32, #tpu.memory_space<hbm>>
      tpu.wait_indirect_dma semaphore(%arg18 : memref<!tpu.dma_semaphore, #tpu.memory_space<semaphore_mem>>) src(%dma_wait3A_1115 : memref<1048576x64xf32, #tpu.memory_space<hbm>>) dst(%arg8 : memref<128x64xf32, #tpu.memory_space<vmem>>)
      %dma_start3A_1116 = arith.constant 0 : i32
      %dma_start3A_1117 = arith.constant 0 : i32
      %dma_start3A_1118 = arith.constant 0 : i32
      %dma_start3A_1119 = tpu.memref_slice %arg4[%add3A_1107, %dma_start3A_1116, %add3A, %dma_start3A_1117, %dma_start3A_1118] : memref<200x8x32x8x128xf32, #tpu.memory_space<hbm>> -> memref<1x8x1x8x128xf32, #tpu.memory_space<hbm>>
      %dma_start3A_1120 = tpu.memref_squeeze %dma_start3A_1119 : memref<1x8x1x8x128xf32, #tpu.memory_space<hbm>> -> memref<8x8x128xf32, #tpu.memory_space<hbm>>
      %dma_start3A_1121 = arith.constant 0 : i32
      %dma_start3A_1122 = arith.constant 0 : i32
      %dma_start3A_1123 = arith.constant 0 : i32
      %dma_start3A_1124 = tpu.memref_slice %arg4[%add3A_1107, %dma_start3A_1121, %add3A, %dma_start3A_1122, %dma_start3A_1123] : memref<200x8x32x8x128xf32, #tpu.memory_space<hbm>> -> memref<1x8x1x8x128xf32, #tpu.memory_space<hbm>>
      %dma_start3A_1125 = tpu.memref_squeeze %dma_start3A_1124 : memref<1x8x1x8x128xf32, #tpu.memory_space<hbm>> -> memref<8x8x128xf32, #tpu.memory_space<hbm>>
      tpu.enqueue_dma source(%arg14 : memref<8x8x128xf32, #tpu.memory_space<vmem>>) target(%dma_start3A_1125 : memref<8x8x128xf32, #tpu.memory_space<hbm>>) target_semaphore(%arg20 : memref<!tpu.dma_semaphore, #tpu.memory_space<semaphore_mem>>)
      %add3A_1126 = arith.constant 4 : i32
      %add3A_1127 = arith.addi %add3A_1107, %add3A_1126 : i32
      %shift_right_arithmetic3A_1128 = arith.constant 3 : i32
      %shift_right_arithmetic3A_1129 = arith.shrsi %add3A_1127, %shift_right_arithmetic3A_1128 : i32
      %and3A_1130 = arith.constant 7 : i32
      %and3A_1131 = arith.andi %add3A_1127, %and3A_1130 : i32
      %get3A_1132 = arith.index_cast %shift_right_arithmetic3A_1129 : i32 to index
      %get3A_1133 = arith.index_cast %and3A_1131 : i32 to index
      %get3A_1134 = arith.constant 0 : index
      %get3A_1135 = tpu.vector_load %arg5[%get3A_1132, %get3A_1133, %get3A_1134] {strides = array<i32>} : memref<25x8x128xi32, #tpu.memory_space<vmem>>, vector<16xi32>,
      %and3A_1136 = arith.constant 524287 : i32
      %and3A_1137 = vector.broadcast %and3A_1136 : i32 to vector<16xi32>
      %and3A_1138 = arith.andi %get3A_1135, %and3A_1137 : vector<16xi32>
      %shift_left3A_1139 = arith.constant 1 : i32
      %shift_left3A_1140 = vector.broadcast %shift_left3A_1139 : i32 to vector<16xi32>
      %shift_left3A_1141 = arith.shli %and3A_1138, %shift_left3A_1140 : vector<16xi32>
      %shift_right_arithmetic3A_1142 = arith.constant 19 : i32
      %shift_right_arithmetic3A_1143 = vector.broadcast %shift_right_arithmetic3A_1142 : i32 to vector<16xi32>
      %shift_right_arithmetic3A_1144 = arith.shrsi %get3A_1135, %shift_right_arithmetic3A_1143 : vector<16xi32>
      %or3A_1145 = arith.ori %shift_left3A_1141, %shift_right_arithmetic3A_1144 : vector<16xi32>
      %swap3A_1146 = arith.constant 0 : index
      %swap3A_1147 = tpu.vector_load %arg12[%swap3A_1146] {strides = array<i32>} : memref<128xi32, #tpu.memory_space<vmem>>, vector<16xi32>,
      tpu.vector_store %arg12[%swap3A_1146], %or3A_1145 {strides = array<i32>} : memref<128xi32, #tpu.memory_space<vmem>>, vector<16xi32>,
      %shift_right_arithmetic3A_1148 = arith.constant 3 : i32
      %shift_right_arithmetic3A_1149 = arith.shrsi %add3A_1127, %shift_right_arithmetic3A_1148 : i32
      %and3A_1150 = arith.constant 7 : i32
      %and3A_1151 = arith.andi %add3A_1127, %and3A_1150 : i32
      %get3A_1152 = arith.index_cast %shift_right_arithmetic3A_1149 : i32 to index
      %get3A_1153 = arith.index_cast %and3A_1151 : i32 to index
      %get3A_1154 = arith.constant 16 : index
      %get3A_1155 = tpu.vector_load %arg5[%get3A_1152, %get3A_1153, %get3A_1154] {strides = array<i32>} : memref<25x8x128xi32, #tpu.memory_space<vmem>>, vector<16xi32>,
      %and3A_1156 = arith.constant 524287 : i32
      %and3A_1157 = vector.broadcast %and3A_1156 : i32 to vector<16xi32>
      %and3A_1158 = arith.andi %get3A_1155, %and3A_1157 : vector<16xi32>
      %shift_left3A_1159 = arith.constant 1 : i32
      %shift_left3A_1160 = vector.broadcast %shift_left3A_1159 : i32 to vector<16xi32>
      %shift_left3A_1161 = arith.shli %and3A_1158, %shift_left3A_1160 : vector<16xi32>
      %shift_right_arithmetic3A_1162 = arith.constant 19 : i32
      %shift_right_arithmetic3A_1163 = vector.broadcast %shift_right_arithmetic3A_1162 : i32 to vector<16xi32>
      %shift_right_arithmetic3A_1164 = arith.shrsi %get3A_1155, %shift_right_arithmetic3A_1163 : vector<16xi32>
      %or3A_1165 = arith.ori %shift_left3A_1161, %shift_right_arithmetic3A_1164 : vector<16xi32>
      %swap3A_1166 = arith.constant 16 : index
      %swap3A_1167 = tpu.vector_load %arg12[%swap3A_1166] {strides = array<i32>} : memref<128xi32, #tpu.memory_space<vmem>>, vector<16xi32>,
      tpu.vector_store %arg12[%swap3A_1166], %or3A_1165 {strides = array<i32>} : memref<128xi32, #tpu.memory_space<vmem>>, vector<16xi32>,
      %shift_right_arithmetic3A_1168 = arith.constant 3 : i32
      %shift_right_arithmetic3A_1169 = arith.shrsi %add3A_1127, %shift_right_arithmetic3A_1168 : i32
      %and3A_1170 = arith.constant 7 : i32
      %and3A_1171 = arith.andi %add3A_1127, %and3A_1170 : i32
      %get3A_1172 = arith.index_cast %shift_right_arithmetic3A_1169 : i32 to index
      %get3A_1173 = arith.index_cast %and3A_1171 : i32 to index
      %get3A_1174 = arith.constant 32 : index
      %get3A_1175 = tpu.vector_load %arg5[%get3A_1172, %get3A_1173, %get3A_1174] {strides = array<i32>} : memref<25x8x128xi32, #tpu.memory_space<vmem>>, vector<16xi32>,
      %and3A_1176 = arith.constant 524287 : i32
      %and3A_1177 = vector.broadcast %and3A_1176 : i32 to vector<16xi32>
      %and3A_1178 = arith.andi %get3A_1175, %and3A_1177 : vector<16xi32>
      %shift_left3A_1179 = arith.constant 1 : i32
      %shift_left3A_1180 = vector.broadcast %shift_left3A_1179 : i32 to vector<16xi32>
      %shift_left3A_1181 = arith.shli %and3A_1178, %shift_left3A_1180 : vector<16xi32>
      %shift_right_arithmetic3A_1182 = arith.constant 19 : i32
      %shift_right_arithmetic3A_1183 = vector.broadcast %shift_right_arithmetic3A_1182 : i32 to vector<16xi32>
      %shift_right_arithmetic3A_1184 = arith.shrsi %get3A_1175, %shift_right_arithmetic3A_1183 : vector<16xi32>
      %or3A_1185 = arith.ori %shift_left3A_1181, %shift_right_arithmetic3A_1184 : vector<16xi32>
      %swap3A_1186 = arith.constant 32 : index
      %swap3A_1187 = tpu.vector_load %arg12[%swap3A_1186] {strides = array<i32>} : memref<128xi32, #tpu.memory_space<vmem>>, vector<16xi32>,
      tpu.vector_store %arg12[%swap3A_1186], %or3A_1185 {strides = array<i32>} : memref<128xi32, #tpu.memory_space<vmem>>, vector<16xi32>,
      %shift_right_arithmetic3A_1188 = arith.constant 3 : i32
      %shift_right_arithmetic3A_1189 = arith.shrsi %add3A_1127, %shift_right_arithmetic3A_1188 : i32
      %and3A_1190 = arith.constant 7 : i32
      %and3A_1191 = arith.andi %add3A_1127, %and3A_1190 : i32
      %get3A_1192 = arith.index_cast %shift_right_arithmetic3A_1189 : i32 to index
      %get3A_1193 = arith.index_cast %and3A_1191 : i32 to index
      %get3A_1194 = arith.constant 48 : index
      %get3A_1195 = tpu.vector_load %arg5[%get3A_1192, %get3A_1193, %get3A_1194] {strides = array<i32>} : memref<25x8x128xi32, #tpu.memory_space<vmem>>, vector<16xi32>,
      %and3A_1196 = arith.constant 524287 : i32
      %and3A_1197 = vector.broadcast %and3A_1196 : i32 to vector<16xi32>
      %and3A_1198 = arith.andi %get3A_1195, %and3A_1197 : vector<16xi32>
      %shift_left3A_1199 = arith.constant 1 : i32
      %shift_left3A_1200 = vector.broadcast %shift_left3A_1199 : i32 to vector<16xi32>
      %shift_left3A_1201 = arith.shli %and3A_1198, %shift_left3A_1200 : vector<16xi32>
      %shift_right_arithmetic3A_1202 = arith.constant 19 : i32
      %shift_right_arithmetic3A_1203 = vector.broadcast %shift_right_arithmetic3A_1202 : i32 to vector<16xi32>
      %shift_right_arithmetic3A_1204 = arith.shrsi %get3A_1195, %shift_right_arithmetic3A_1203 : vector<16xi32>
      %or3A_1205 = arith.ori %shift_left3A_1201, %shift_right_arithmetic3A_1204 : vector<16xi32>
      %swap3A_1206 = arith.constant 48 : index
      %swap3A_1207 = tpu.vector_load %arg12[%swap3A_1206] {strides = array<i32>} : memref<128xi32, #tpu.memory_space<vmem>>, vector<16xi32>,
      tpu.vector_store %arg12[%swap3A_1206], %or3A_1205 {strides = array<i32>} : memref<128xi32, #tpu.memory_space<vmem>>, vector<16xi32>,
      %shift_right_arithmetic3A_1208 = arith.constant 3 : i32
      %shift_right_arithmetic3A_1209 = arith.shrsi %add3A_1127, %shift_right_arithmetic3A_1208 : i32
      %and3A_1210 = arith.constant 7 : i32
      %and3A_1211 = arith.andi %add3A_1127, %and3A_1210 : i32
      %get3A_1212 = arith.index_cast %shift_right_arithmetic3A_1209 : i32 to index
      %get3A_1213 = arith.index_cast %and3A_1211 : i32 to index
      %get3A_1214 = arith.constant 64 : index
      %get3A_1215 = tpu.vector_load %arg5[%get3A_1212, %get3A_1213, %get3A_1214] {strides = array<i32>} : memref<25x8x128xi32, #tpu.memory_space<vmem>>, vector<16xi32>,
      %and3A_1216 = arith.constant 524287 : i32
      %and3A_1217 = vector.broadcast %and3A_1216 : i32 to vector<16xi32>
      %and3A_1218 = arith.andi %get3A_1215, %and3A_1217 : vector<16xi32>
      %shift_left3A_1219 = arith.constant 1 : i32
      %shift_left3A_1220 = vector.broadcast %shift_left3A_1219 : i32 to vector<16xi32>
      %shift_left3A_1221 = arith.shli %and3A_1218, %shift_left3A_1220 : vector<16xi32>
      %shift_right_arithmetic3A_1222 = arith.constant 19 : i32
      %shift_right_arithmetic3A_1223 = vector.broadcast %shift_right_arithmetic3A_1222 : i32 to vector<16xi32>
      %shift_right_arithmetic3A_1224 = arith.shrsi %get3A_1215, %shift_right_arithmetic3A_1223 : vector<16xi32>
      %or3A_1225 = arith.ori %shift_left3A_1221, %shift_right_arithmetic3A_1224 : vector<16xi32>
      %swap3A_1226 = arith.constant 64 : index
      %swap3A_1227 = tpu.vector_load %arg12[%swap3A_1226] {strides = array<i32>} : memref<128xi32, #tpu.memory_space<vmem>>, vector<16xi32>,
      tpu.vector_store %arg12[%swap3A_1226], %or3A_1225 {strides = array<i32>} : memref<128xi32, #tpu.memory_space<vmem>>, vector<16xi32>,
      %shift_right_arithmetic3A_1228 = arith.constant 3 : i32
      %shift_right_arithmetic3A_1229 = arith.shrsi %add3A_1127, %shift_right_arithmetic3A_1228 : i32
      %and3A_1230 = arith.constant 7 : i32
      %and3A_1231 = arith.andi %add3A_1127, %and3A_1230 : i32
      %get3A_1232 = arith.index_cast %shift_right_arithmetic3A_1229 : i32 to index
      %get3A_1233 = arith.index_cast %and3A_1231 : i32 to index
      %get3A_1234 = arith.constant 80 : index
      %get3A_1235 = tpu.vector_load %arg5[%get3A_1232, %get3A_1233, %get3A_1234] {strides = array<i32>} : memref<25x8x128xi32, #tpu.memory_space<vmem>>, vector<16xi32>,
      %and3A_1236 = arith.constant 524287 : i32
      %and3A_1237 = vector.broadcast %and3A_1236 : i32 to vector<16xi32>
      %and3A_1238 = arith.andi %get3A_1235, %and3A_1237 : vector<16xi32>
      %shift_left3A_1239 = arith.constant 1 : i32
      %shift_left3A_1240 = vector.broadcast %shift_left3A_1239 : i32 to vector<16xi32>
      %shift_left3A_1241 = arith.shli %and3A_1238, %shift_left3A_1240 : vector<16xi32>
      %shift_right_arithmetic3A_1242 = arith.constant 19 : i32
      %shift_right_arithmetic3A_1243 = vector.broadcast %shift_right_arithmetic3A_1242 : i32 to vector<16xi32>
      %shift_right_arithmetic3A_1244 = arith.shrsi %get3A_1235, %shift_right_arithmetic3A_1243 : vector<16xi32>
      %or3A_1245 = arith.ori %shift_left3A_1241, %shift_right_arithmetic3A_1244 : vector<16xi32>
      %swap3A_1246 = arith.constant 80 : index
      %swap3A_1247 = tpu.vector_load %arg12[%swap3A_1246] {strides = array<i32>} : memref<128xi32, #tpu.memory_space<vmem>>, vector<16xi32>,
      tpu.vector_store %arg12[%swap3A_1246], %or3A_1245 {strides = array<i32>} : memref<128xi32, #tpu.memory_space<vmem>>, vector<16xi32>,
      %shift_right_arithmetic3A_1248 = arith.constant 3 : i32
      %shift_right_arithmetic3A_1249 = arith.shrsi %add3A_1127, %shift_right_arithmetic3A_1248 : i32
      %and3A_1250 = arith.constant 7 : i32
      %and3A_1251 = arith.andi %add3A_1127, %and3A_1250 : i32
      %get3A_1252 = arith.index_cast %shift_right_arithmetic3A_1249 : i32 to index
      %get3A_1253 = arith.index_cast %and3A_1251 : i32 to index
      %get3A_1254 = arith.constant 96 : index
      %get3A_1255 = tpu.vector_load %arg5[%get3A_1252, %get3A_1253, %get3A_1254] {strides = array<i32>} : memref<25x8x128xi32, #tpu.memory_space<vmem>>, vector<16xi32>,
      %and3A_1256 = arith.constant 524287 : i32
      %and3A_1257 = vector.broadcast %and3A_1256 : i32 to vector<16xi32>
      %and3A_1258 = arith.andi %get3A_1255, %and3A_1257 : vector<16xi32>
      %shift_left3A_1259 = arith.constant 1 : i32
      %shift_left3A_1260 = vector.broadcast %shift_left3A_1259 : i32 to vector<16xi32>
      %shift_left3A_1261 = arith.shli %and3A_1258, %shift_left3A_1260 : vector<16xi32>
      %shift_right_arithmetic3A_1262 = arith.constant 19 : i32
      %shift_right_arithmetic3A_1263 = vector.broadcast %shift_right_arithmetic3A_1262 : i32 to vector<16xi32>
      %shift_right_arithmetic3A_1264 = arith.shrsi %get3A_1255, %shift_right_arithmetic3A_1263 : vector<16xi32>
      %or3A_1265 = arith.ori %shift_left3A_1261, %shift_right_arithmetic3A_1264 : vector<16xi32>
      %swap3A_1266 = arith.constant 96 : index
      %swap3A_1267 = tpu.vector_load %arg12[%swap3A_1266] {strides = array<i32>} : memref<128xi32, #tpu.memory_space<vmem>>, vector<16xi32>,
      tpu.vector_store %arg12[%swap3A_1266], %or3A_1265 {strides = array<i32>} : memref<128xi32, #tpu.memory_space<vmem>>, vector<16xi32>,
      %shift_right_arithmetic3A_1268 = arith.constant 3 : i32
      %shift_right_arithmetic3A_1269 = arith.shrsi %add3A_1127, %shift_right_arithmetic3A_1268 : i32
      %and3A_1270 = arith.constant 7 : i32
      %and3A_1271 = arith.andi %add3A_1127, %and3A_1270 : i32
      %get3A_1272 = arith.index_cast %shift_right_arithmetic3A_1269 : i32 to index
      %get3A_1273 = arith.index_cast %and3A_1271 : i32 to index
      %get3A_1274 = arith.constant 112 : index
      %get3A_1275 = tpu.vector_load %arg5[%get3A_1272, %get3A_1273, %get3A_1274] {strides = array<i32>} : memref<25x8x128xi32, #tpu.memory_space<vmem>>, vector<16xi32>,
      %and3A_1276 = arith.constant 524287 : i32
      %and3A_1277 = vector.broadcast %and3A_1276 : i32 to vector<16xi32>
      %and3A_1278 = arith.andi %get3A_1275, %and3A_1277 : vector<16xi32>
      %shift_left3A_1279 = arith.constant 1 : i32
      %shift_left3A_1280 = vector.broadcast %shift_left3A_1279 : i32 to vector<16xi32>
      %shift_left3A_1281 = arith.shli %and3A_1278, %shift_left3A_1280 : vector<16xi32>
      %shift_right_arithmetic3A_1282 = arith.constant 19 : i32
      %shift_right_arithmetic3A_1283 = vector.broadcast %shift_right_arithmetic3A_1282 : i32 to vector<16xi32>
      %shift_right_arithmetic3A_1284 = arith.shrsi %get3A_1275, %shift_right_arithmetic3A_1283 : vector<16xi32>
      %or3A_1285 = arith.ori %shift_left3A_1281, %shift_right_arithmetic3A_1284 : vector<16xi32>
      %swap3A_1286 = arith.constant 112 : index
      %swap3A_1287 = tpu.vector_load %arg12[%swap3A_1286] {strides = array<i32>} : memref<128xi32, #tpu.memory_space<vmem>>, vector<16xi32>,
      tpu.vector_store %arg12[%swap3A_1286], %or3A_1285 {strides = array<i32>} : memref<128xi32, #tpu.memory_space<vmem>>, vector<16xi32>,
      %dma_start3A_1288 = arith.constant 0 : i32
      %dma_start3A_1289 = arith.constant 0 : i32
      %dma_start3A_1290 = tpu.memref_slice %arg2[%dma_start3A_1288, %dma_start3A_1289] : memref<1048576x64xf32, #tpu.memory_space<hbm>> -> memref<1048576x64xf32, #tpu.memory_space<hbm>>
      tpu.enqueue_indirect_dma source(%dma_start3A_1290 : memref<1048576x64xf32, #tpu.memory_space<hbm>>) target(%arg8 : memref<128x64xf32, #tpu.memory_space<vmem>>) offsets(%arg12 : memref<128xi32, #tpu.memory_space<vmem>>) semaphore(%arg18 : memref<!tpu.dma_semaphore, #tpu.memory_space<semaphore_mem>>)
      %mul3A_1291 = arith.constant 4 : i32
      %mul3A_1292 = arith.muli %mul3A_1291, %scan3A_732 : i32
      %add3A_1293 = arith.constant 3 : i32
      %add3A_1294 = arith.addi %mul3A_1292, %add3A_1293 : i32
      %ge3A_1295 = arith.constant 2 : i32
      %ge3A_1296 = arith.cmpi sge, %add3A_1294, %ge3A_1295 : i32
      %convert_element_type3A_1297 = arith.extui %ge3A_1296 : i1 to i32
      %cond3A_1298 = arith.constant 0 : i32
      %cond3A_1299 = arith.cmpi ne, %convert_element_type3A_1297, %cond3A_1298 : i32
      scf.if %cond3A_1299 {
        %sub3A = arith.constant 2 : i32
        %sub3A_1478 = arith.subi %add3A_1294, %sub3A : i32
        %dma_wait3A_1479 = arith.constant 0 : i32
        %dma_wait3A_1480 = arith.constant 0 : i32
        %dma_wait3A_1481 = arith.constant 0 : i32
        %dma_wait3A_1482 = tpu.memref_slice %arg4[%sub3A_1478, %dma_wait3A_1479, %add3A, %dma_wait3A_1480, %dma_wait3A_1481] : memref<200x8x32x8x128xf32, #tpu.memory_space<hbm>> -> memref<1x8x1x8x128xf32, #tpu.memory_space<hbm>>
        %dma_wait3A_1483 = tpu.memref_squeeze %dma_wait3A_1482 : memref<1x8x1x8x128xf32, #tpu.memory_space<hbm>> -> memref<8x8x128xf32, #tpu.memory_space<hbm>>
        %dma_wait3A_1484 = arith.constant 0 : i32
        %dma_wait3A_1485 = arith.constant 0 : i32
        %dma_wait3A_1486 = arith.constant 0 : i32
        %dma_wait3A_1487 = tpu.memref_slice %arg4[%sub3A_1478, %dma_wait3A_1484, %add3A, %dma_wait3A_1485, %dma_wait3A_1486] : memref<200x8x32x8x128xf32, #tpu.memory_space<hbm>> -> memref<1x8x1x8x128xf32, #tpu.memory_space<hbm>>
        %dma_wait3A_1488 = tpu.memref_squeeze %dma_wait3A_1487 : memref<1x8x1x8x128xf32, #tpu.memory_space<hbm>> -> memref<8x8x128xf32, #tpu.memory_space<hbm>>
        tpu.wait_dma2 semaphore(%arg21 : memref<!tpu.dma_semaphore, #tpu.memory_space<semaphore_mem>>) src(%arg15 : memref<8x8x128xf32, #tpu.memory_space<vmem>>) dst(%dma_wait3A_1488 : memref<8x8x128xf32, #tpu.memory_space<hbm>>)
      } else {
      }
      %dma_wait3A_1300 = arith.constant 0 : i32
      %dma_wait3A_1301 = arith.constant 0 : i32
      %dma_wait3A_1302 = tpu.memref_slice %arg2[%dma_wait3A_1300, %dma_wait3A_1301] : memref<1048576x64xf32, #tpu.memory_space<hbm>> -> memref<1048576x64xf32, #tpu.memory_space<hbm>>
      tpu.wait_indirect_dma semaphore(%arg19 : memref<!tpu.dma_semaphore, #tpu.memory_space<semaphore_mem>>) src(%dma_wait3A_1302 : memref<1048576x64xf32, #tpu.memory_space<hbm>>) dst(%arg9 : memref<128x64xf32, #tpu.memory_space<vmem>>)
      %dma_start3A_1303 = arith.constant 0 : i32
      %dma_start3A_1304 = arith.constant 0 : i32
      %dma_start3A_1305 = arith.constant 0 : i32
      %dma_start3A_1306 = tpu.memref_slice %arg4[%add3A_1294, %dma_start3A_1303, %add3A, %dma_start3A_1304, %dma_start3A_1305] : memref<200x8x32x8x128xf32, #tpu.memory_space<hbm>> -> memref<1x8x1x8x128xf32, #tpu.memory_space<hbm>>
      %dma_start3A_1307 = tpu.memref_squeeze %dma_start3A_1306 : memref<1x8x1x8x128xf32, #tpu.memory_space<hbm>> -> memref<8x8x128xf32, #tpu.memory_space<hbm>>
      %dma_start3A_1308 = arith.constant 0 : i32
      %dma_start3A_1309 = arith.constant 0 : i32
      %dma_start3A_1310 = arith.constant 0 : i32
      %dma_start3A_1311 = tpu.memref_slice %arg4[%add3A_1294, %dma_start3A_1308, %add3A, %dma_start3A_1309, %dma_start3A_1310] : memref<200x8x32x8x128xf32, #tpu.memory_space<hbm>> -> memref<1x8x1x8x128xf32, #tpu.memory_space<hbm>>
      %dma_start3A_1312 = tpu.memref_squeeze %dma_start3A_1311 : memref<1x8x1x8x128xf32, #tpu.memory_space<hbm>> -> memref<8x8x128xf32, #tpu.memory_space<hbm>>
      tpu.enqueue_dma source(%arg15 : memref<8x8x128xf32, #tpu.memory_space<vmem>>) target(%dma_start3A_1312 : memref<8x8x128xf32, #tpu.memory_space<hbm>>) target_semaphore(%arg21 : memref<!tpu.dma_semaphore, #tpu.memory_space<semaphore_mem>>)
      %add3A_1313 = arith.constant 4 : i32
      %add3A_1314 = arith.addi %add3A_1294, %add3A_1313 : i32
      %shift_right_arithmetic3A_1315 = arith.constant 3 : i32
      %shift_right_arithmetic3A_1316 = arith.shrsi %add3A_1314, %shift_right_arithmetic3A_1315 : i32
      %and3A_1317 = arith.constant 7 : i32
      %and3A_1318 = arith.andi %add3A_1314, %and3A_1317 : i32
      %get3A_1319 = arith.index_cast %shift_right_arithmetic3A_1316 : i32 to index
      %get3A_1320 = arith.index_cast %and3A_1318 : i32 to index
      %get3A_1321 = arith.constant 0 : index
      %get3A_1322 = tpu.vector_load %arg5[%get3A_1319, %get3A_1320, %get3A_1321] {strides = array<i32>} : memref<25x8x128xi32, #tpu.memory_space<vmem>>, vector<16xi32>,
      %and3A_1323 = arith.constant 524287 : i32
      %and3A_1324 = vector.broadcast %and3A_1323 : i32 to vector<16xi32>
      %and3A_1325 = arith.andi %get3A_1322, %and3A_1324 : vector<16xi32>
      %shift_left3A_1326 = arith.constant 1 : i32
      %shift_left3A_1327 = vector.broadcast %shift_left3A_1326 : i32 to vector<16xi32>
      %shift_left3A_1328 = arith.shli %and3A_1325, %shift_left3A_1327 : vector<16xi32>
      %shift_right_arithmetic3A_1329 = arith.constant 19 : i32
      %shift_right_arithmetic3A_1330 = vector.broadcast %shift_right_arithmetic3A_1329 : i32 to vector<16xi32>
      %shift_right_arithmetic3A_1331 = arith.shrsi %get3A_1322, %shift_right_arithmetic3A_1330 : vector<16xi32>
      %or3A_1332 = arith.ori %shift_left3A_1328, %shift_right_arithmetic3A_1331 : vector<16xi32>
      %swap3A_1333 = arith.constant 0 : index
      %swap3A_1334 = tpu.vector_load %arg13[%swap3A_1333] {strides = array<i32>} : memref<128xi32, #tpu.memory_space<vmem>>, vector<16xi32>,
      tpu.vector_store %arg13[%swap3A_1333], %or3A_1332 {strides = array<i32>} : memref<128xi32, #tpu.memory_space<vmem>>, vector<16xi32>,
      %shift_right_arithmetic3A_1335 = arith.constant 3 : i32
      %shift_right_arithmetic3A_1336 = arith.shrsi %add3A_1314, %shift_right_arithmetic3A_1335 : i32
      %and3A_1337 = arith.constant 7 : i32
      %and3A_1338 = arith.andi %add3A_1314, %and3A_1337 : i32
      %get3A_1339 = arith.index_cast %shift_right_arithmetic3A_1336 : i32 to index
      %get3A_1340 = arith.index_cast %and3A_1338 : i32 to index
      %get3A_1341 = arith.constant 16 : index
      %get3A_1342 = tpu.vector_load %arg5[%get3A_1339, %get3A_1340, %get3A_1341] {strides = array<i32>} : memref<25x8x128xi32, #tpu.memory_space<vmem>>, vector<16xi32>,
      %and3A_1343 = arith.constant 524287 : i32
      %and3A_1344 = vector.broadcast %and3A_1343 : i32 to vector<16xi32>
      %and3A_1345 = arith.andi %get3A_1342, %and3A_1344 : vector<16xi32>
      %shift_left3A_1346 = arith.constant 1 : i32
      %shift_left3A_1347 = vector.broadcast %shift_left3A_1346 : i32 to vector<16xi32>
      %shift_left3A_1348 = arith.shli %and3A_1345, %shift_left3A_1347 : vector<16xi32>
      %shift_right_arithmetic3A_1349 = arith.constant 19 : i32
      %shift_right_arithmetic3A_1350 = vector.broadcast %shift_right_arithmetic3A_1349 : i32 to vector<16xi32>
      %shift_right_arithmetic3A_1351 = arith.shrsi %get3A_1342, %shift_right_arithmetic3A_1350 : vector<16xi32>
      %or3A_1352 = arith.ori %shift_left3A_1348, %shift_right_arithmetic3A_1351 : vector<16xi32>
      %swap3A_1353 = arith.constant 16 : index
      %swap3A_1354 = tpu.vector_load %arg13[%swap3A_1353] {strides = array<i32>} : memref<128xi32, #tpu.memory_space<vmem>>, vector<16xi32>,
      tpu.vector_store %arg13[%swap3A_1353], %or3A_1352 {strides = array<i32>} : memref<128xi32, #tpu.memory_space<vmem>>, vector<16xi32>,
      %shift_right_arithmetic3A_1355 = arith.constant 3 : i32
      %shift_right_arithmetic3A_1356 = arith.shrsi %add3A_1314, %shift_right_arithmetic3A_1355 : i32
      %and3A_1357 = arith.constant 7 : i32
      %and3A_1358 = arith.andi %add3A_1314, %and3A_1357 : i32
      %get3A_1359 = arith.index_cast %shift_right_arithmetic3A_1356 : i32 to index
      %get3A_1360 = arith.index_cast %and3A_1358 : i32 to index
      %get3A_1361 = arith.constant 32 : index
      %get3A_1362 = tpu.vector_load %arg5[%get3A_1359, %get3A_1360, %get3A_1361] {strides = array<i32>} : memref<25x8x128xi32, #tpu.memory_space<vmem>>, vector<16xi32>,
      %and3A_1363 = arith.constant 524287 : i32
      %and3A_1364 = vector.broadcast %and3A_1363 : i32 to vector<16xi32>
      %and3A_1365 = arith.andi %get3A_1362, %and3A_1364 : vector<16xi32>
      %shift_left3A_1366 = arith.constant 1 : i32
      %shift_left3A_1367 = vector.broadcast %shift_left3A_1366 : i32 to vector<16xi32>
      %shift_left3A_1368 = arith.shli %and3A_1365, %shift_left3A_1367 : vector<16xi32>
      %shift_right_arithmetic3A_1369 = arith.constant 19 : i32
      %shift_right_arithmetic3A_1370 = vector.broadcast %shift_right_arithmetic3A_1369 : i32 to vector<16xi32>
      %shift_right_arithmetic3A_1371 = arith.shrsi %get3A_1362, %shift_right_arithmetic3A_1370 : vector<16xi32>
      %or3A_1372 = arith.ori %shift_left3A_1368, %shift_right_arithmetic3A_1371 : vector<16xi32>
      %swap3A_1373 = arith.constant 32 : index
      %swap3A_1374 = tpu.vector_load %arg13[%swap3A_1373] {strides = array<i32>} : memref<128xi32, #tpu.memory_space<vmem>>, vector<16xi32>,
      tpu.vector_store %arg13[%swap3A_1373], %or3A_1372 {strides = array<i32>} : memref<128xi32, #tpu.memory_space<vmem>>, vector<16xi32>,
      %shift_right_arithmetic3A_1375 = arith.constant 3 : i32
      %shift_right_arithmetic3A_1376 = arith.shrsi %add3A_1314, %shift_right_arithmetic3A_1375 : i32
      %and3A_1377 = arith.constant 7 : i32
      %and3A_1378 = arith.andi %add3A_1314, %and3A_1377 : i32
      %get3A_1379 = arith.index_cast %shift_right_arithmetic3A_1376 : i32 to index
      %get3A_1380 = arith.index_cast %and3A_1378 : i32 to index
      %get3A_1381 = arith.constant 48 : index
      %get3A_1382 = tpu.vector_load %arg5[%get3A_1379, %get3A_1380, %get3A_1381] {strides = array<i32>} : memref<25x8x128xi32, #tpu.memory_space<vmem>>, vector<16xi32>,
      %and3A_1383 = arith.constant 524287 : i32
      %and3A_1384 = vector.broadcast %and3A_1383 : i32 to vector<16xi32>
      %and3A_1385 = arith.andi %get3A_1382, %and3A_1384 : vector<16xi32>
      %shift_left3A_1386 = arith.constant 1 : i32
      %shift_left3A_1387 = vector.broadcast %shift_left3A_1386 : i32 to vector<16xi32>
      %shift_left3A_1388 = arith.shli %and3A_1385, %shift_left3A_1387 : vector<16xi32>
      %shift_right_arithmetic3A_1389 = arith.constant 19 : i32
      %shift_right_arithmetic3A_1390 = vector.broadcast %shift_right_arithmetic3A_1389 : i32 to vector<16xi32>
      %shift_right_arithmetic3A_1391 = arith.shrsi %get3A_1382, %shift_right_arithmetic3A_1390 : vector<16xi32>
      %or3A_1392 = arith.ori %shift_left3A_1388, %shift_right_arithmetic3A_1391 : vector<16xi32>
      %swap3A_1393 = arith.constant 48 : index
      %swap3A_1394 = tpu.vector_load %arg13[%swap3A_1393] {strides = array<i32>} : memref<128xi32, #tpu.memory_space<vmem>>, vector<16xi32>,
      tpu.vector_store %arg13[%swap3A_1393], %or3A_1392 {strides = array<i32>} : memref<128xi32, #tpu.memory_space<vmem>>, vector<16xi32>,
      %shift_right_arithmetic3A_1395 = arith.constant 3 : i32
      %shift_right_arithmetic3A_1396 = arith.shrsi %add3A_1314, %shift_right_arithmetic3A_1395 : i32
      %and3A_1397 = arith.constant 7 : i32
      %and3A_1398 = arith.andi %add3A_1314, %and3A_1397 : i32
      %get3A_1399 = arith.index_cast %shift_right_arithmetic3A_1396 : i32 to index
      %get3A_1400 = arith.index_cast %and3A_1398 : i32 to index
      %get3A_1401 = arith.constant 64 : index
      %get3A_1402 = tpu.vector_load %arg5[%get3A_1399, %get3A_1400, %get3A_1401] {strides = array<i32>} : memref<25x8x128xi32, #tpu.memory_space<vmem>>, vector<16xi32>,
      %and3A_1403 = arith.constant 524287 : i32
      %and3A_1404 = vector.broadcast %and3A_1403 : i32 to vector<16xi32>
      %and3A_1405 = arith.andi %get3A_1402, %and3A_1404 : vector<16xi32>
      %shift_left3A_1406 = arith.constant 1 : i32
      %shift_left3A_1407 = vector.broadcast %shift_left3A_1406 : i32 to vector<16xi32>
      %shift_left3A_1408 = arith.shli %and3A_1405, %shift_left3A_1407 : vector<16xi32>
      %shift_right_arithmetic3A_1409 = arith.constant 19 : i32
      %shift_right_arithmetic3A_1410 = vector.broadcast %shift_right_arithmetic3A_1409 : i32 to vector<16xi32>
      %shift_right_arithmetic3A_1411 = arith.shrsi %get3A_1402, %shift_right_arithmetic3A_1410 : vector<16xi32>
      %or3A_1412 = arith.ori %shift_left3A_1408, %shift_right_arithmetic3A_1411 : vector<16xi32>
      %swap3A_1413 = arith.constant 64 : index
      %swap3A_1414 = tpu.vector_load %arg13[%swap3A_1413] {strides = array<i32>} : memref<128xi32, #tpu.memory_space<vmem>>, vector<16xi32>,
      tpu.vector_store %arg13[%swap3A_1413], %or3A_1412 {strides = array<i32>} : memref<128xi32, #tpu.memory_space<vmem>>, vector<16xi32>,
      %shift_right_arithmetic3A_1415 = arith.constant 3 : i32
      %shift_right_arithmetic3A_1416 = arith.shrsi %add3A_1314, %shift_right_arithmetic3A_1415 : i32
      %and3A_1417 = arith.constant 7 : i32
      %and3A_1418 = arith.andi %add3A_1314, %and3A_1417 : i32
      %get3A_1419 = arith.index_cast %shift_right_arithmetic3A_1416 : i32 to index
      %get3A_1420 = arith.index_cast %and3A_1418 : i32 to index
      %get3A_1421 = arith.constant 80 : index
      %get3A_1422 = tpu.vector_load %arg5[%get3A_1419, %get3A_1420, %get3A_1421] {strides = array<i32>} : memref<25x8x128xi32, #tpu.memory_space<vmem>>, vector<16xi32>,
      %and3A_1423 = arith.constant 524287 : i32
      %and3A_1424 = vector.broadcast %and3A_1423 : i32 to vector<16xi32>
      %and3A_1425 = arith.andi %get3A_1422, %and3A_1424 : vector<16xi32>
      %shift_left3A_1426 = arith.constant 1 : i32
      %shift_left3A_1427 = vector.broadcast %shift_left3A_1426 : i32 to vector<16xi32>
      %shift_left3A_1428 = arith.shli %and3A_1425, %shift_left3A_1427 : vector<16xi32>
      %shift_right_arithmetic3A_1429 = arith.constant 19 : i32
      %shift_right_arithmetic3A_1430 = vector.broadcast %shift_right_arithmetic3A_1429 : i32 to vector<16xi32>
      %shift_right_arithmetic3A_1431 = arith.shrsi %get3A_1422, %shift_right_arithmetic3A_1430 : vector<16xi32>
      %or3A_1432 = arith.ori %shift_left3A_1428, %shift_right_arithmetic3A_1431 : vector<16xi32>
      %swap3A_1433 = arith.constant 80 : index
      %swap3A_1434 = tpu.vector_load %arg13[%swap3A_1433] {strides = array<i32>} : memref<128xi32, #tpu.memory_space<vmem>>, vector<16xi32>,
      tpu.vector_store %arg13[%swap3A_1433], %or3A_1432 {strides = array<i32>} : memref<128xi32, #tpu.memory_space<vmem>>, vector<16xi32>,
      %shift_right_arithmetic3A_1435 = arith.constant 3 : i32
      %shift_right_arithmetic3A_1436 = arith.shrsi %add3A_1314, %shift_right_arithmetic3A_1435 : i32
      %and3A_1437 = arith.constant 7 : i32
      %and3A_1438 = arith.andi %add3A_1314, %and3A_1437 : i32
      %get3A_1439 = arith.index_cast %shift_right_arithmetic3A_1436 : i32 to index
      %get3A_1440 = arith.index_cast %and3A_1438 : i32 to index
      %get3A_1441 = arith.constant 96 : index
      %get3A_1442 = tpu.vector_load %arg5[%get3A_1439, %get3A_1440, %get3A_1441] {strides = array<i32>} : memref<25x8x128xi32, #tpu.memory_space<vmem>>, vector<16xi32>,
      %and3A_1443 = arith.constant 524287 : i32
      %and3A_1444 = vector.broadcast %and3A_1443 : i32 to vector<16xi32>
      %and3A_1445 = arith.andi %get3A_1442, %and3A_1444 : vector<16xi32>
      %shift_left3A_1446 = arith.constant 1 : i32
      %shift_left3A_1447 = vector.broadcast %shift_left3A_1446 : i32 to vector<16xi32>
      %shift_left3A_1448 = arith.shli %and3A_1445, %shift_left3A_1447 : vector<16xi32>
      %shift_right_arithmetic3A_1449 = arith.constant 19 : i32
      %shift_right_arithmetic3A_1450 = vector.broadcast %shift_right_arithmetic3A_1449 : i32 to vector<16xi32>
      %shift_right_arithmetic3A_1451 = arith.shrsi %get3A_1442, %shift_right_arithmetic3A_1450 : vector<16xi32>
      %or3A_1452 = arith.ori %shift_left3A_1448, %shift_right_arithmetic3A_1451 : vector<16xi32>
      %swap3A_1453 = arith.constant 96 : index
      %swap3A_1454 = tpu.vector_load %arg13[%swap3A_1453] {strides = array<i32>} : memref<128xi32, #tpu.memory_space<vmem>>, vector<16xi32>,
      tpu.vector_store %arg13[%swap3A_1453], %or3A_1452 {strides = array<i32>} : memref<128xi32, #tpu.memory_space<vmem>>, vector<16xi32>,
      %shift_right_arithmetic3A_1455 = arith.constant 3 : i32
      %shift_right_arithmetic3A_1456 = arith.shrsi %add3A_1314, %shift_right_arithmetic3A_1455 : i32
      %and3A_1457 = arith.constant 7 : i32
      %and3A_1458 = arith.andi %add3A_1314, %and3A_1457 : i32
      %get3A_1459 = arith.index_cast %shift_right_arithmetic3A_1456 : i32 to index
      %get3A_1460 = arith.index_cast %and3A_1458 : i32 to index
      %get3A_1461 = arith.constant 112 : index
      %get3A_1462 = tpu.vector_load %arg5[%get3A_1459, %get3A_1460, %get3A_1461] {strides = array<i32>} : memref<25x8x128xi32, #tpu.memory_space<vmem>>, vector<16xi32>,
      %and3A_1463 = arith.constant 524287 : i32
      %and3A_1464 = vector.broadcast %and3A_1463 : i32 to vector<16xi32>
      %and3A_1465 = arith.andi %get3A_1462, %and3A_1464 : vector<16xi32>
      %shift_left3A_1466 = arith.constant 1 : i32
      %shift_left3A_1467 = vector.broadcast %shift_left3A_1466 : i32 to vector<16xi32>
      %shift_left3A_1468 = arith.shli %and3A_1465, %shift_left3A_1467 : vector<16xi32>
      %shift_right_arithmetic3A_1469 = arith.constant 19 : i32
      %shift_right_arithmetic3A_1470 = vector.broadcast %shift_right_arithmetic3A_1469 : i32 to vector<16xi32>
      %shift_right_arithmetic3A_1471 = arith.shrsi %get3A_1462, %shift_right_arithmetic3A_1470 : vector<16xi32>
      %or3A_1472 = arith.ori %shift_left3A_1468, %shift_right_arithmetic3A_1471 : vector<16xi32>
      %swap3A_1473 = arith.constant 112 : index
      %swap3A_1474 = tpu.vector_load %arg13[%swap3A_1473] {strides = array<i32>} : memref<128xi32, #tpu.memory_space<vmem>>, vector<16xi32>,
      tpu.vector_store %arg13[%swap3A_1473], %or3A_1472 {strides = array<i32>} : memref<128xi32, #tpu.memory_space<vmem>>, vector<16xi32>,
      %dma_start3A_1475 = arith.constant 0 : i32
      %dma_start3A_1476 = arith.constant 0 : i32
      %dma_start3A_1477 = tpu.memref_slice %arg2[%dma_start3A_1475, %dma_start3A_1476] : memref<1048576x64xf32, #tpu.memory_space<hbm>> -> memref<1048576x64xf32, #tpu.memory_space<hbm>>
      tpu.enqueue_indirect_dma source(%dma_start3A_1477 : memref<1048576x64xf32, #tpu.memory_space<hbm>>) target(%arg9 : memref<128x64xf32, #tpu.memory_space<vmem>>) offsets(%arg13 : memref<128xi32, #tpu.memory_space<vmem>>) semaphore(%arg19 : memref<!tpu.dma_semaphore, #tpu.memory_space<semaphore_mem>>)
    }
    %scan3A_610 = arith.constant 49 : i32
    %dma_wait3A = arith.constant 194 : i32
    %dma_wait3A_611 = arith.constant 0 : i32
    %dma_wait3A_612 = arith.constant 0 : i32
    %dma_wait3A_613 = arith.constant 0 : i32
    %dma_wait3A_614 = tpu.memref_slice %arg4[%dma_wait3A, %dma_wait3A_611, %add3A, %dma_wait3A_612, %dma_wait3A_613] : memref<200x8x32x8x128xf32, #tpu.memory_space<hbm>> -> memref<1x8x1x8x128xf32, #tpu.memory_space<hbm>>
    %dma_wait3A_615 = tpu.memref_squeeze %dma_wait3A_614 : memref<1x8x1x8x128xf32, #tpu.memory_space<hbm>> -> memref<8x8x128xf32, #tpu.memory_space<hbm>>
    %dma_wait3A_616 = arith.constant 0 : i32
    %dma_wait3A_617 = arith.constant 0 : i32
    %dma_wait3A_618 = arith.constant 0 : i32
    %dma_wait3A_619 = tpu.memref_slice %arg4[%dma_wait3A, %dma_wait3A_616, %add3A, %dma_wait3A_617, %dma_wait3A_618] : memref<200x8x32x8x128xf32, #tpu.memory_space<hbm>> -> memref<1x8x1x8x128xf32, #tpu.memory_space<hbm>>
    %dma_wait3A_620 = tpu.memref_squeeze %dma_wait3A_619 : memref<1x8x1x8x128xf32, #tpu.memory_space<hbm>> -> memref<8x8x128xf32, #tpu.memory_space<hbm>>
    tpu.wait_dma2 semaphore(%arg20 : memref<!tpu.dma_semaphore, #tpu.memory_space<semaphore_mem>>) src(%arg14 : memref<8x8x128xf32, #tpu.memory_space<vmem>>) dst(%dma_wait3A_620 : memref<8x8x128xf32, #tpu.memory_space<hbm>>)
    %dma_wait3A_621 = arith.constant 0 : i32
    %dma_wait3A_622 = arith.constant 0 : i32
    %dma_wait3A_623 = tpu.memref_slice %arg2[%dma_wait3A_621, %dma_wait3A_622] : memref<1048576x64xf32, #tpu.memory_space<hbm>> -> memref<1048576x64xf32, #tpu.memory_space<hbm>>
    tpu.wait_indirect_dma semaphore(%arg16 : memref<!tpu.dma_semaphore, #tpu.memory_space<semaphore_mem>>) src(%dma_wait3A_623 : memref<1048576x64xf32, #tpu.memory_space<hbm>>) dst(%arg6 : memref<128x64xf32, #tpu.memory_space<vmem>>)
    %dma_start3A_624 = arith.constant 196 : i32
    %dma_start3A_625 = arith.constant 0 : i32
    %dma_start3A_626 = arith.constant 0 : i32
    %dma_start3A_627 = arith.constant 0 : i32
    %dma_start3A_628 = tpu.memref_slice %arg4[%dma_start3A_624, %dma_start3A_625, %add3A, %dma_start3A_626, %dma_start3A_627] : memref<200x8x32x8x128xf32, #tpu.memory_space<hbm>> -> memref<1x8x1x8x128xf32, #tpu.memory_space<hbm>>
    %dma_start3A_629 = tpu.memref_squeeze %dma_start3A_628 : memref<1x8x1x8x128xf32, #tpu.memory_space<hbm>> -> memref<8x8x128xf32, #tpu.memory_space<hbm>>
    %dma_start3A_630 = arith.constant 0 : i32
    %dma_start3A_631 = arith.constant 0 : i32
    %dma_start3A_632 = arith.constant 0 : i32
    %dma_start3A_633 = tpu.memref_slice %arg4[%dma_start3A_624, %dma_start3A_630, %add3A, %dma_start3A_631, %dma_start3A_632] : memref<200x8x32x8x128xf32, #tpu.memory_space<hbm>> -> memref<1x8x1x8x128xf32, #tpu.memory_space<hbm>>
    %dma_start3A_634 = tpu.memref_squeeze %dma_start3A_633 : memref<1x8x1x8x128xf32, #tpu.memory_space<hbm>> -> memref<8x8x128xf32, #tpu.memory_space<hbm>>
    tpu.enqueue_dma source(%arg14 : memref<8x8x128xf32, #tpu.memory_space<vmem>>) target(%dma_start3A_634 : memref<8x8x128xf32, #tpu.memory_space<hbm>>) target_semaphore(%arg20 : memref<!tpu.dma_semaphore, #tpu.memory_space<semaphore_mem>>)
    %dma_wait3A_635 = arith.constant 195 : i32
    %dma_wait3A_636 = arith.constant 0 : i32
    %dma_wait3A_637 = arith.constant 0 : i32
    %dma_wait3A_638 = arith.constant 0 : i32
    %dma_wait3A_639 = tpu.memref_slice %arg4[%dma_wait3A_635, %dma_wait3A_636, %add3A, %dma_wait3A_637, %dma_wait3A_638] : memref<200x8x32x8x128xf32, #tpu.memory_space<hbm>> -> memref<1x8x1x8x128xf32, #tpu.memory_space<hbm>>
    %dma_wait3A_640 = tpu.memref_squeeze %dma_wait3A_639 : memref<1x8x1x8x128xf32, #tpu.memory_space<hbm>> -> memref<8x8x128xf32, #tpu.memory_space<hbm>>
    %dma_wait3A_641 = arith.constant 0 : i32
    %dma_wait3A_642 = arith.constant 0 : i32
    %dma_wait3A_643 = arith.constant 0 : i32
    %dma_wait3A_644 = tpu.memref_slice %arg4[%dma_wait3A_635, %dma_wait3A_641, %add3A, %dma_wait3A_642, %dma_wait3A_643] : memref<200x8x32x8x128xf32, #tpu.memory_space<hbm>> -> memref<1x8x1x8x128xf32, #tpu.memory_space<hbm>>
    %dma_wait3A_645 = tpu.memref_squeeze %dma_wait3A_644 : memref<1x8x1x8x128xf32, #tpu.memory_space<hbm>> -> memref<8x8x128xf32, #tpu.memory_space<hbm>>
    tpu.wait_dma2 semaphore(%arg21 : memref<!tpu.dma_semaphore, #tpu.memory_space<semaphore_mem>>) src(%arg15 : memref<8x8x128xf32, #tpu.memory_space<vmem>>) dst(%dma_wait3A_645 : memref<8x8x128xf32, #tpu.memory_space<hbm>>)
    %dma_wait3A_646 = arith.constant 0 : i32
    %dma_wait3A_647 = arith.constant 0 : i32
    %dma_wait3A_648 = tpu.memref_slice %arg2[%dma_wait3A_646, %dma_wait3A_647] : memref<1048576x64xf32, #tpu.memory_space<hbm>> -> memref<1048576x64xf32, #tpu.memory_space<hbm>>
    tpu.wait_indirect_dma semaphore(%arg17 : memref<!tpu.dma_semaphore, #tpu.memory_space<semaphore_mem>>) src(%dma_wait3A_648 : memref<1048576x64xf32, #tpu.memory_space<hbm>>) dst(%arg7 : memref<128x64xf32, #tpu.memory_space<vmem>>)
    %dma_start3A_649 = arith.constant 197 : i32
    %dma_start3A_650 = arith.constant 0 : i32
    %dma_start3A_651 = arith.constant 0 : i32
    %dma_start3A_652 = arith.constant 0 : i32
    %dma_start3A_653 = tpu.memref_slice %arg4[%dma_start3A_649, %dma_start3A_650, %add3A, %dma_start3A_651, %dma_start3A_652] : memref<200x8x32x8x128xf32, #tpu.memory_space<hbm>> -> memref<1x8x1x8x128xf32, #tpu.memory_space<hbm>>
    %dma_start3A_654 = tpu.memref_squeeze %dma_start3A_653 : memref<1x8x1x8x128xf32, #tpu.memory_space<hbm>> -> memref<8x8x128xf32, #tpu.memory_space<hbm>>
    %dma_start3A_655 = arith.constant 0 : i32
    %dma_start3A_656 = arith.constant 0 : i32
    %dma_start3A_657 = arith.constant 0 : i32
    %dma_start3A_658 = tpu.memref_slice %arg4[%dma_start3A_649, %dma_start3A_655, %add3A, %dma_start3A_656, %dma_start3A_657] : memref<200x8x32x8x128xf32, #tpu.memory_space<hbm>> -> memref<1x8x1x8x128xf32, #tpu.memory_space<hbm>>
    %dma_start3A_659 = tpu.memref_squeeze %dma_start3A_658 : memref<1x8x1x8x128xf32, #tpu.memory_space<hbm>> -> memref<8x8x128xf32, #tpu.memory_space<hbm>>
    tpu.enqueue_dma source(%arg15 : memref<8x8x128xf32, #tpu.memory_space<vmem>>) target(%dma_start3A_659 : memref<8x8x128xf32, #tpu.memory_space<hbm>>) target_semaphore(%arg21 : memref<!tpu.dma_semaphore, #tpu.memory_space<semaphore_mem>>)
    %dma_wait3A_660 = arith.constant 196 : i32
    %dma_wait3A_661 = arith.constant 0 : i32
    %dma_wait3A_662 = arith.constant 0 : i32
    %dma_wait3A_663 = arith.constant 0 : i32
    %dma_wait3A_664 = tpu.memref_slice %arg4[%dma_wait3A_660, %dma_wait3A_661, %add3A, %dma_wait3A_662, %dma_wait3A_663] : memref<200x8x32x8x128xf32, #tpu.memory_space<hbm>> -> memref<1x8x1x8x128xf32, #tpu.memory_space<hbm>>
    %dma_wait3A_665 = tpu.memref_squeeze %dma_wait3A_664 : memref<1x8x1x8x128xf32, #tpu.memory_space<hbm>> -> memref<8x8x128xf32, #tpu.memory_space<hbm>>
    %dma_wait3A_666 = arith.constant 0 : i32
    %dma_wait3A_667 = arith.constant 0 : i32
    %dma_wait3A_668 = arith.constant 0 : i32
    %dma_wait3A_669 = tpu.memref_slice %arg4[%dma_wait3A_660, %dma_wait3A_666, %add3A, %dma_wait3A_667, %dma_wait3A_668] : memref<200x8x32x8x128xf32, #tpu.memory_space<hbm>> -> memref<1x8x1x8x128xf32, #tpu.memory_space<hbm>>
    %dma_wait3A_670 = tpu.memref_squeeze %dma_wait3A_669 : memref<1x8x1x8x128xf32, #tpu.memory_space<hbm>> -> memref<8x8x128xf32, #tpu.memory_space<hbm>>
    tpu.wait_dma2 semaphore(%arg20 : memref<!tpu.dma_semaphore, #tpu.memory_space<semaphore_mem>>) src(%arg14 : memref<8x8x128xf32, #tpu.memory_space<vmem>>) dst(%dma_wait3A_670 : memref<8x8x128xf32, #tpu.memory_space<hbm>>)
    %dma_wait3A_671 = arith.constant 0 : i32
    %dma_wait3A_672 = arith.constant 0 : i32
    %dma_wait3A_673 = tpu.memref_slice %arg2[%dma_wait3A_671, %dma_wait3A_672] : memref<1048576x64xf32, #tpu.memory_space<hbm>> -> memref<1048576x64xf32, #tpu.memory_space<hbm>>
    tpu.wait_indirect_dma semaphore(%arg18 : memref<!tpu.dma_semaphore, #tpu.memory_space<semaphore_mem>>) src(%dma_wait3A_673 : memref<1048576x64xf32, #tpu.memory_space<hbm>>) dst(%arg8 : memref<128x64xf32, #tpu.memory_space<vmem>>)
    %dma_start3A_674 = arith.constant 198 : i32
    %dma_start3A_675 = arith.constant 0 : i32
    %dma_start3A_676 = arith.constant 0 : i32
    %dma_start3A_677 = arith.constant 0 : i32
    %dma_start3A_678 = tpu.memref_slice %arg4[%dma_start3A_674, %dma_start3A_675, %add3A, %dma_start3A_676, %dma_start3A_677] : memref<200x8x32x8x128xf32, #tpu.memory_space<hbm>> -> memref<1x8x1x8x128xf32, #tpu.memory_space<hbm>>
    %dma_start3A_679 = tpu.memref_squeeze %dma_start3A_678 : memref<1x8x1x8x128xf32, #tpu.memory_space<hbm>> -> memref<8x8x128xf32, #tpu.memory_space<hbm>>
    %dma_start3A_680 = arith.constant 0 : i32
    %dma_start3A_681 = arith.constant 0 : i32
    %dma_start3A_682 = arith.constant 0 : i32
    %dma_start3A_683 = tpu.memref_slice %arg4[%dma_start3A_674, %dma_start3A_680, %add3A, %dma_start3A_681, %dma_start3A_682] : memref<200x8x32x8x128xf32, #tpu.memory_space<hbm>> -> memref<1x8x1x8x128xf32, #tpu.memory_space<hbm>>
    %dma_start3A_684 = tpu.memref_squeeze %dma_start3A_683 : memref<1x8x1x8x128xf32, #tpu.memory_space<hbm>> -> memref<8x8x128xf32, #tpu.memory_space<hbm>>
    tpu.enqueue_dma source(%arg14 : memref<8x8x128xf32, #tpu.memory_space<vmem>>) target(%dma_start3A_684 : memref<8x8x128xf32, #tpu.memory_space<hbm>>) target_semaphore(%arg20 : memref<!tpu.dma_semaphore, #tpu.memory_space<semaphore_mem>>)
    %dma_wait3A_685 = arith.constant 197 : i32
    %dma_wait3A_686 = arith.constant 0 : i32
    %dma_wait3A_687 = arith.constant 0 : i32
    %dma_wait3A_688 = arith.constant 0 : i32
    %dma_wait3A_689 = tpu.memref_slice %arg4[%dma_wait3A_685, %dma_wait3A_686, %add3A, %dma_wait3A_687, %dma_wait3A_688] : memref<200x8x32x8x128xf32, #tpu.memory_space<hbm>> -> memref<1x8x1x8x128xf32, #tpu.memory_space<hbm>>
    %dma_wait3A_690 = tpu.memref_squeeze %dma_wait3A_689 : memref<1x8x1x8x128xf32, #tpu.memory_space<hbm>> -> memref<8x8x128xf32, #tpu.memory_space<hbm>>
    %dma_wait3A_691 = arith.constant 0 : i32
    %dma_wait3A_692 = arith.constant 0 : i32
    %dma_wait3A_693 = arith.constant 0 : i32
    %dma_wait3A_694 = tpu.memref_slice %arg4[%dma_wait3A_685, %dma_wait3A_691, %add3A, %dma_wait3A_692, %dma_wait3A_693] : memref<200x8x32x8x128xf32, #tpu.memory_space<hbm>> -> memref<1x8x1x8x128xf32, #tpu.memory_space<hbm>>
    %dma_wait3A_695 = tpu.memref_squeeze %dma_wait3A_694 : memref<1x8x1x8x128xf32, #tpu.memory_space<hbm>> -> memref<8x8x128xf32, #tpu.memory_space<hbm>>
    tpu.wait_dma2 semaphore(%arg21 : memref<!tpu.dma_semaphore, #tpu.memory_space<semaphore_mem>>) src(%arg15 : memref<8x8x128xf32, #tpu.memory_space<vmem>>) dst(%dma_wait3A_695 : memref<8x8x128xf32, #tpu.memory_space<hbm>>)
    %dma_wait3A_696 = arith.constant 0 : i32
    %dma_wait3A_697 = arith.constant 0 : i32
    %dma_wait3A_698 = tpu.memref_slice %arg2[%dma_wait3A_696, %dma_wait3A_697] : memref<1048576x64xf32, #tpu.memory_space<hbm>> -> memref<1048576x64xf32, #tpu.memory_space<hbm>>
    tpu.wait_indirect_dma semaphore(%arg19 : memref<!tpu.dma_semaphore, #tpu.memory_space<semaphore_mem>>) src(%dma_wait3A_698 : memref<1048576x64xf32, #tpu.memory_space<hbm>>) dst(%arg9 : memref<128x64xf32, #tpu.memory_space<vmem>>)
    %dma_start3A_699 = arith.constant 199 : i32
    %dma_start3A_700 = arith.constant 0 : i32
    %dma_start3A_701 = arith.constant 0 : i32
    %dma_start3A_702 = arith.constant 0 : i32
    %dma_start3A_703 = tpu.memref_slice %arg4[%dma_start3A_699, %dma_start3A_700, %add3A, %dma_start3A_701, %dma_start3A_702] : memref<200x8x32x8x128xf32, #tpu.memory_space<hbm>> -> memref<1x8x1x8x128xf32, #tpu.memory_space<hbm>>
    %dma_start3A_704 = tpu.memref_squeeze %dma_start3A_703 : memref<1x8x1x8x128xf32, #tpu.memory_space<hbm>> -> memref<8x8x128xf32, #tpu.memory_space<hbm>>
    %dma_start3A_705 = arith.constant 0 : i32
    %dma_start3A_706 = arith.constant 0 : i32
    %dma_start3A_707 = arith.constant 0 : i32
    %dma_start3A_708 = tpu.memref_slice %arg4[%dma_start3A_699, %dma_start3A_705, %add3A, %dma_start3A_706, %dma_start3A_707] : memref<200x8x32x8x128xf32, #tpu.memory_space<hbm>> -> memref<1x8x1x8x128xf32, #tpu.memory_space<hbm>>
    %dma_start3A_709 = tpu.memref_squeeze %dma_start3A_708 : memref<1x8x1x8x128xf32, #tpu.memory_space<hbm>> -> memref<8x8x128xf32, #tpu.memory_space<hbm>>
    tpu.enqueue_dma source(%arg15 : memref<8x8x128xf32, #tpu.memory_space<vmem>>) target(%dma_start3A_709 : memref<8x8x128xf32, #tpu.memory_space<hbm>>) target_semaphore(%arg21 : memref<!tpu.dma_semaphore, #tpu.memory_space<semaphore_mem>>)
    %dma_wait3A_710 = arith.constant 198 : i32
    %dma_wait3A_711 = arith.constant 0 : i32
    %dma_wait3A_712 = arith.constant 0 : i32
    %dma_wait3A_713 = arith.constant 0 : i32
    %dma_wait3A_714 = tpu.memref_slice %arg4[%dma_wait3A_710, %dma_wait3A_711, %add3A, %dma_wait3A_712, %dma_wait3A_713] : memref<200x8x32x8x128xf32, #tpu.memory_space<hbm>> -> memref<1x8x1x8x128xf32, #tpu.memory_space<hbm>>
    %dma_wait3A_715 = tpu.memref_squeeze %dma_wait3A_714 : memref<1x8x1x8x128xf32, #tpu.memory_space<hbm>> -> memref<8x8x128xf32, #tpu.memory_space<hbm>>
    %dma_wait3A_716 = arith.constant 0 : i32
    %dma_wait3A_717 = arith.constant 0 : i32
    %dma_wait3A_718 = arith.constant 0 : i32
    %dma_wait3A_719 = tpu.memref_slice %arg4[%dma_wait3A_710, %dma_wait3A_716, %add3A, %dma_wait3A_717, %dma_wait3A_718] : memref<200x8x32x8x128xf32, #tpu.memory_space<hbm>> -> memref<1x8x1x8x128xf32, #tpu.memory_space<hbm>>
    %dma_wait3A_720 = tpu.memref_squeeze %dma_wait3A_719 : memref<1x8x1x8x128xf32, #tpu.memory_space<hbm>> -> memref<8x8x128xf32, #tpu.memory_space<hbm>>
    tpu.wait_dma2 semaphore(%arg20 : memref<!tpu.dma_semaphore, #tpu.memory_space<semaphore_mem>>) src(%arg14 : memref<8x8x128xf32, #tpu.memory_space<vmem>>) dst(%dma_wait3A_720 : memref<8x8x128xf32, #tpu.memory_space<hbm>>)
    %dma_wait3A_721 = arith.constant 199 : i32
    %dma_wait3A_722 = arith.constant 0 : i32
    %dma_wait3A_723 = arith.constant 0 : i32
    %dma_wait3A_724 = arith.constant 0 : i32
    %dma_wait3A_725 = tpu.memref_slice %arg4[%dma_wait3A_721, %dma_wait3A_722, %add3A, %dma_wait3A_723, %dma_wait3A_724] : memref<200x8x32x8x128xf32, #tpu.memory_space<hbm>> -> memref<1x8x1x8x128xf32, #tpu.memory_space<hbm>>
    %dma_wait3A_726 = tpu.memref_squeeze %dma_wait3A_725 : memref<1x8x1x8x128xf32, #tpu.memory_space<hbm>> -> memref<8x8x128xf32, #tpu.memory_space<hbm>>
    %dma_wait3A_727 = arith.constant 0 : i32
    %dma_wait3A_728 = arith.constant 0 : i32
    %dma_wait3A_729 = arith.constant 0 : i32
    %dma_wait3A_730 = tpu.memref_slice %arg4[%dma_wait3A_721, %dma_wait3A_727, %add3A, %dma_wait3A_728, %dma_wait3A_729] : memref<200x8x32x8x128xf32, #tpu.memory_space<hbm>> -> memref<1x8x1x8x128xf32, #tpu.memory_space<hbm>>
    %dma_wait3A_731 = tpu.memref_squeeze %dma_wait3A_730 : memref<1x8x1x8x128xf32, #tpu.memory_space<hbm>> -> memref<8x8x128xf32, #tpu.memory_space<hbm>>
    tpu.wait_dma2 semaphore(%arg21 : memref<!tpu.dma_semaphore, #tpu.memory_space<semaphore_mem>>) src(%arg15 : memref<8x8x128xf32, #tpu.memory_space<vmem>>) dst(%dma_wait3A_731 : memref<8x8x128xf32, #tpu.memory_space<hbm>>)
    return
  }
}

module attributes {stable_mosaic.version = 14 : i64} {
  func.func @body(%arg0: i32, %arg1: memref<64x4096xf32, #tpu.memory_space<vmem>>, %arg2: memref<64x4096xf32, #tpu.memory_space<vmem>>, %arg3: memref<4096x128xf32, #tpu.memory_space<vmem>>) attributes {dimension_semantics = [#tpu.dimension_semantics<arbitrary>], iteration_bounds = array<i64: 128>, scalar_prefetch = 0 : i64, scratch_operands = 0 : i64, tpu.core_type = #tpu.core_type<tc>, window_params = [{transform_indices = @transform_0, window_bounds = array<i64: 64, 4096>}, {transform_indices = @transform_1, window_bounds = array<i64: 64, 4096>}, {transform_indices = @transform_2, window_bounds = array<i64: 4096, 128>}]} {
    %get3A = arith.constant 0 : index
    %get3A_0 = arith.constant 0 : index
    %get3A_1 = vector.load %arg1[%get3A, %get3A_0] : memref<64x4096xf32, #tpu.memory_space<vmem>>, vector<64x4096xf32>
    %get3A_2 = arith.constant 0 : index
    %get3A_3 = arith.constant 0 : index
    %get3A_4 = vector.load %arg2[%get3A_2, %get3A_3] : memref<64x4096xf32, #tpu.memory_space<vmem>>, vector<64x4096xf32>
    %concatenate3A = tpu.concatenate %get3A_1, %get3A_4 in 0 : vector<64x4096xf32>, vector<64x4096xf32> -> vector<128x4096xf32>
    %transpose3A = tpu.transpose %concatenate3A, [1, 0] : vector<128x4096xf32> -> vector<4096x128xf32>
    %swap3A = arith.constant 0 : index
    %swap3A_5 = arith.constant 0 : index
    %swap3A_6 = vector.load %arg3[%swap3A, %swap3A_5] : memref<4096x128xf32, #tpu.memory_space<vmem>>, vector<4096x128xf32>
    tpu.vector_store %arg3[%swap3A, %swap3A_5], %transpose3A {strides = array<i32>} : memref<4096x128xf32, #tpu.memory_space<vmem>>, vector<4096x128xf32>,
    return
  }
  func.func @transform_0(%arg0: i32) -> (i32, i32) {
    %c0_i32 = arith.constant 0 : i32
    %c0_i32_0 = arith.constant 0 : i32
    return %c0_i32, %arg0 : i32, i32
  }
  func.func @transform_1(%arg0: i32) -> (i32, i32) {
    %add3A = arith.constant 128 : i32
    %add3A_0 = arith.addi %arg0, %add3A : i32
    %min3A = arith.constant 244 : i32
    %min3A_1 = arith.minsi %add3A_0, %min3A : i32
    %c0_i32 = arith.constant 0 : i32
    %c0_i32_2 = arith.constant 0 : i32
    return %c0_i32, %min3A_1 : i32, i32
  }
  func.func @transform_2(%arg0: i32) -> (i32, i32) {
    %c0_i32 = arith.constant 0 : i32
    %c0_i32_0 = arith.constant 0 : i32
    return %arg0, %c0_i32 : i32, i32
  }
}

</mosaic_0001>

<sc_bundles>
// kernel: kernel.4.cloned.1.call-start
scs
__scs_entry_jumppad:
0x0: {  	(pc) =	sbr.rel $0x88, $3  }
0x1: {  	(tag) =	ssettag $0x0;
	lr =	simm.s32 $0x1  }
0x2: {  	[smem:$0x3F9F] =	sst lr;
	_ =	strace $0xD0000000  }
0x3: {  	_ = 	snop  }
0x4: {  	_ = 	snop  }
0x5: {  	_ = 	snop  }
0x6: {  	_ = 	snop  }
0x7: {  	_ = 	snop  }
__scs_overlays_trampoline_lowered:
0x8: {  	[smem:$0x3FAE] =	sst s0  }
0x9: {  	[smem:$0x3FAF] =	sst s1  }
0xa: {  	[smem:$0x3FB0] =	sst s2  }
0xb: {  	[smem:$0x3FB1] =	sst s3  }
0xc: {  	[smem:$0x3FB2] =	sst s4  }
0xd: {  	[smem:$0x3FB3] =	sst s5  }
0xe: {  	[smem:$0x3FB4] =	sst s6  }
0xf: {  	[smem:$0x3FB5] =	sst s7  }
0x10: {  	[smem:$0x3FB6] =	sst s8  }
0x11: {  	[smem:$0x3FB7] =	sst s9;
	s0 =	simm.s32 @!p0 $0x0  }
0x12: {  	s1 =	sld [smem:$0x3F9D];
	s0 =	simm.s32 @p0 $0x1  }
0x13: {  	[smem:$0x3FB8] =	sst s0;
	s0 =	simm.s32 @!p1 $0x0  }
0x14: {  	s2 =	sld [smem:$0x3F9C];
	s0 =	simm.s32 @p1 $0x1  }
0x15: {  	[smem:$0x3FB9] =	sst s0;
	s0 =	simm.s32 @!p2 $0x0  }
0x16: {  	s3 =	sld [smem:$0x3FDB];
	s0 =	simm.s32 @p2 $0x1  }
0x17: {  	s4 =	simm.s32 $0x1BF5;
	[smem:$0x3FBB] =	sst s0  }
0x18: {  	s0 =	sld [smem:$0x3F9E];
	_ =	swait.ge [sflag:s4], $0x0  }
0x19: {  	s7 =	sld [smem:$0x3F9F]  }
0x1a: {  	s8 =	sadd.s32 $0xFFFFE003, lr  }
0x1b: {  	s9 =	sadd.s32 $0xFFFFFEF7, lr;
	s5 =	simm.s32 $0xFFFFFFFF;
	p2 =	slt.u32 s8, $0xFFFFF086  }
0x1c: {  	p1 =	slt.u32 s9, $0xF7A;
	s5 =	simm.s32 @!p2 $0x0  }
0x1d: {  	s5 =	simm.s32 @p1 $0x1;
	p0 =	seq.s32 s7, s2  }
0x1e: {  	s7 =	smul.u32 @!p0 $0xF7A, s2;
	p2 =	seq.s32 @!p0 s5, $0x0  }
0x1f: {  	s9 =	smul.u32 $0xF7A, s1;
	s8 =	simm.s32 @!p0 $0x1BF5;
	p2 =	por !p2, p0  }
0x20: {  	[sflag:s8] =	ssyncset.s32 @!p0 $0xFFFFF086;
	s6 =	sadd.s32 @!p0 s3, s7;
	s7 =	simm.s32 @!p0 $0x108  }
0x21: {  	s3 =	sadd.s32 s3, s9;
	s6 =	sadd.s32 @!p0 $0x88, s6;
	s7 =	simm.s32 @p2 $0x1082  }
0x22: {  	[simem:s7], [sflag:s8] =	dma.local @!p0 [hbm:s6], $0xF7A  }
0x23: {  	s9 =	sor.u32 $0xD0000000, s2;
	s6 =	simm.s32 $0x108;
	_ =	swait.ge @!p0 [sflag:s8], $0x0  }
0x24: {  	s3 =	sadd.s32 $0x88, s3;
	s6 =	simm.s32 @!p1 $0x1082;
	[sflag:s4] =	ssyncset.s32 $0xFFFFF086  }
0x25: {  	[simem:s6], [sflag:s4] =	dma.local [hbm:s3], $0xF7A  }
0x26: {  	[smem:$0x3F9F] =	sst s1;
	(tag) =	ssettag s2;
	_ =	strace s9  }
0x27: {  	s1 =	sld [smem:$0x3FAF]  }
0x28: {  	s2 =	sld [smem:$0x3FB0]  }
0x29: {  	s4 =	sld [smem:$0x3FB2]  }
0x2a: {  	p0 =	seq.s32 s5, $0x0;
	s5 =	sld [smem:$0x3FB3]  }
0x2b: {  	s6 =	sld [smem:$0x3FB4]  }
0x2c: {  	s7 =	sld [smem:$0x3FB5]  }
0x2d: {  	s3 =	simm.s32 $0x108;
	s8 =	sld [smem:$0x3FB6]  }
0x2e: {  	s3 =	simm.s32 @!p0 $0x1082;
	s9 =	sld [smem:$0x3FB7]  }
0x2f: {  	lr =	sadd.s32 s0, s3;
	s0 =	sld [smem:$0x3FAE]  }
0x30: {  	s3 =	sld [smem:$0x3FB1]  }
0x31: {  	[smem:$0x3FBA] =	sst s10  }
0x32: {  	s10 =	sld [smem:$0x3FB8];
	_ =	sdelay $0x3  }
0x33: {  	p0 =	seq.s32 s10, $0x1;
	s10 =	sld [smem:$0x3FBA];
	_ =	sdelay $0x3  }
0x34: {  	[smem:$0x3FBA] =	sst s10  }
0x35: {  	s10 =	sld [smem:$0x3FB9];
	_ =	sdelay $0x3  }
0x36: {  	p1 =	seq.s32 s10, $0x1;
	s10 =	sld [smem:$0x3FBA];
	_ =	sdelay $0x3  }
0x37: {  	[smem:$0x3FBA] =	sst s10  }
0x38: {  	s10 =	sld [smem:$0x3FBB]  }
0x39: {  	_ = 	snop;
	(pc) =	sbr.ind lr, $3  }
0x3a: {  	_ = 	snop  }
0x3b: {  	_ = 	snop  }
0x3c: {  	p2 =	seq.s32 s10, $0x1;
	s10 =	sld [smem:$0x3FBA]  }
0x3d: {  	_ =	shalt  }
0x3e: {  	_ =	shalt  }
0x3f: {  	_ =	shalt  }
0x40: {  	_ =	shalt  }
0x41: {  	_ =	shalt  }
0x42: {  	_ =	shalt  }
0x43: {  	_ =	shalt  }
0x44: {  	_ =	shalt  }
0x45: {  	_ =	shalt  }
0x46: {  	_ =	shalt  }
0x47: {  	_ =	shalt  }
0x48: {  	_ =	shalt  }
0x49: {  	_ =	shalt  }
0x4a: {  	_ =	shalt  }
0x4b: {  	_ =	shalt  }
0x4c: {  	_ =	shalt  }
0x4d: {  	_ =	shalt  }
0x4e: {  	_ =	shalt  }
0x4f: {  	_ =	shalt  }
0x50: {  	_ =	shalt  }
0x51: {  	_ =	shalt  }
0x52: {  	_ =	shalt  }
0x53: {  	_ =	shalt  }
0x54: {  	_ =	shalt  }
0x55: {  	_ =	shalt  }
0x56: {  	_ =	shalt  }
0x57: {  	_ =	shalt  }
0x58: {  	_ =	shalt  }
0x59: {  	_ =	shalt  }
0x5a: {  	_ =	shalt  }
0x5b: {  	_ =	shalt  }
0x5c: {  	_ =	shalt  }
0x5d: {  	_ =	shalt  }
0x5e: {  	_ =	shalt  }
0x5f: {  	_ =	shalt  }
0x60: {  	_ =	shalt  }
0x61: {  	_ =	shalt  }
0x62: {  	_ =	shalt  }
0x63: {  	_ =	shalt  }
0x64: {  	_ =	shalt  }
0x65: {  	_ =	shalt  }
0x66: {  	_ =	shalt  }
0x67: {  	_ =	shalt  }
0x68: {  	_ =	shalt  }
0x69: {  	_ =	shalt  }
0x6a: {  	_ =	shalt  }
0x6b: {  	_ =	shalt  }
0x6c: {  	_ =	shalt  }
0x6d: {  	_ =	shalt  }
0x6e: {  	_ =	shalt  }
0x6f: {  	_ =	shalt  }
0x70: {  	_ =	shalt  }
0x71: {  	_ =	shalt  }
0x72: {  	_ =	shalt  }
0x73: {  	_ =	shalt  }
0x74: {  	_ =	shalt  }
0x75: {  	_ =	shalt  }
0x76: {  	_ =	shalt  }
0x77: {  	_ =	shalt  }
0x78: {  	_ =	shalt  }
0x79: {  	_ =	shalt  }
0x7a: {  	_ =	shalt  }
0x7b: {  	_ =	shalt  }
0x7c: {  	_ =	shalt  }
0x7d: {  	_ =	shalt  }
0x7e: {  	_ =	shalt  }
0x7f: {  	_ =	shalt  }
0x80: {  	_ =	shalt  }
0x81: {  	_ =	shalt  }
0x82: {  	_ =	shalt  }
0x83: {  	_ =	shalt  }
0x84: {  	_ =	shalt  }
0x85: {  	_ =	shalt  }
0x86: {  	_ =	shalt  }
0x87: {  	_ =	shalt  }
.Lfunc_end0:
.L_simem_size_0:
called_computation_lowered:
.L_overlay_start_0:
0x88: {  	s2 =	sld [smem:$0x3FD9]  }
0x89: {  	s3 =	sld [smem:$0x3FFE];
	_ =	sdelay $0x1  }
0x8a: {  	s1 =	srdreg.scid  }
0x8b: {  	s0 =	sand.u32 $0x1, s1  }
0x8c: {  	s17 =	sshll.u32 s0, $0xA;
	s2 =	sadd.s32 s3, s2  }
0x8d: {  	s2 =	sadd.s32 s2, s17  }
0x8e: {  	[smem:$0x3FC6] =	sst s2  }
0x8f: {  	_ = 	snop  }
0x90: {  	s2 =	sld [smem:$0x3FC9]  }
0x91: {  	s18 =	sld [smem:$0x3FD0];
	(tm) =	ssettm $0x1  }
0x92: {  	s4 =	sld [smem:$0x3FFB];
	_ =	sdelay $0x3  }
0x93: {  	_ =	strace s4  }
0x94: {  	s4 =	sld [smem:$0x3FFC];
	_ =	sdelay $0x3  }
0x95: {  	_ =	strace s4  }
0x96: {  	s4 =	sld [smem:$0x3FFD];
	_ =	sdelay $0x3  }
0x97: {  	_ =	strace s4  }
0x98: {  	_ =	strace $0x8FFFFFFF  }
0x99: {  	s19 =	sld [smem:$0x3FDB];
	_ =	sdelay $0x1  }
0x9a: {  	s5 =	simm.s32 $_scs_section_size  }
0x9b: {  	s6 =	simm.s32 $_size__tile_overlayer_lowered;
	s7 =	simm.s32 $_tile_overlayer_lowered  }
0x9c: {  	s22 =	simm.s32 $0x1BFF;
	s21 =	sshll.u32 s7, $0x1;
	s4 =	sadd.s32 s5, s19  }
0x9d: {  	s8 =	simm.s32 $0x0;
	s20 =	sshll.u32 s6, $0x1;
	s6 =	sadd.s32 s21, s4  }
0x9e: {  	[timem:s8], [sflag:s22] =	dma.local [hbm:s6], s20  }
0x9f: {  	_ =	swait.ge [sflag:s22], s20  }
0xa0: {  	s5 =	ssub.s32 $0x0, s20;
	[sflag:s22] =	ssyncset.done $0x0  }
0xa1: {  	[sflag:s22] =	ssyncadd.s32 s5;
	_ =	sdelay $0x1  }
0xa2: {  	s23 =	simm.s32 $0x1B8B  }
0xa3: {  	_ =	swait.ge [sflag:s23], $0x1  }
0xa4: {  	[sflag:s23] =	ssyncset.done $0x0  }
0xa5: {  	s25 =	simm.s32 $0x1B8E;
	s24 =	sld [smem:$0x3FFE];
	[sflag:s23] =	ssyncadd.s32 $0xFFFFFFFF  }
0xa6: {  	s26 =	simm.s32 $execute0_lowered;
	[smem:$0x3FD2] =	sst s25  }
0xa7: {  	s6 =	sshll.u32 s26, $0x1;
	_ =	strace $0x80000046;
	[dreg:$0x1] =	wrdreg $0xFFFFFFFF  }
0xa8: {  	s28 =	simm.s32 $_size_execute0_lowered;
	s4 =	sadd.s32 s4, s6;
	[dreg:$0x0] =	wrdreg $0x0  }
0xa9: {  	s6 =	sshll.u32 s28, $0x1;
	[dreg:$0x2] =	wrdreg s4  }
0xaa: {  	[dreg:$0x3] =	wrdreg s6  }
0xab: {  	[dreg:$0x4] =	wrdreg $0xC0  }
0xac: {  	_ =	task [dreg:s8], $0x5FFFF  }
0xad: {  	[dreg:$0x1] =	wrdreg $0xFFFFFFFF  }
0xae: {  	[dreg:$0x0] =	wrdreg $0x60  }
0xaf: {  	[dreg:$0x2] =	wrdreg s24  }
0xb0: {  	[dreg:$0x3] =	wrdreg s2  }
0xb1: {  	[dreg:$0x4] =	wrdreg s18  }
0xb2: {  	[dreg:$0x5] =	wrdreg $0x9  }
0xb3: {  	_ =	task.clear_ibuf [dreg:s8], $0x6FFFF;
	_ =	strace $0x90000046  }
0xb4: {  	s29 =	simm.s32 $0x9;
	_ =	strace $0x80000048  }
0xb5: {  	_ =	swait.ge [sflag:s29], $0x1  }
0xb6: {  	[sflag:s29] =	ssyncadd.s32 $0xFFFFFFFF  }
0xb7: {  	_ =	strace $0x90000048  }
0xb8: {  	_ =	sfence  }
0xb9: {  	s30 =	sld [smem:$0x0];
	_ =	sdelay $0x2  }
0xba: {  	s31 =	sshll.u32 s1, $0xD;
	s1 =	sshrl.u32 s1, $0x2  }
0xbb: {  	s3 =	sand.u32 $0x4000, s31;
	s1 =	sadd.s32 s1, s30  }
0xbc: {  	s0 =	sor.u32 s3, s0;
	s1 =	sshll.u32 s1, $0x11  }
0xbd: {  	s0 =	sor.u32 s1, s0  }
0xbe: {  	s0 =	sadd.s32 $0x8F2B, s0  }
0xbf: {  	[sflag:s0] =	ssyncadd.remote.s32 $0x1  }
0xc0: {  	_ =	sfence.sel $0xFFFF  }
0xc1: {  	[dreg:$0x0] =	wrdreg $0xFFFFFFFF;
	(pc) =	sbr.abs _section_cstart, $3  }
0xc2: {  	[dreg:$0x1] =	wrdreg $0xFFFFFFFF  }
0xc3: {  	_ =	task.clear_ibuf [dreg:s8], $0x2FFFF;
	_ =	strace $0x9FFFFFFF  }
0xc4: {  	(tm) =	ssettm $0x7FFFFFFF  }
0xc5: {  	_ =	shalt  }
tec
execute0_lowered:
.L_overlay_start_1:
0x0: {  	(tag) =	ssettag $0x1  }
0x1: {  	s0 =	rddreg [dreg:$0x0]  }
0x2: {  	s1 =	rddreg [dreg:$0x1]  }
0x3: {  	s2 =	rddreg [dreg:$0x2]  }
0x4: {  	s3 =	srdreg.scid;
	s4 =	stileid.u32  }
0x5: {  	s6 =	simm.s32 $0x0;
	s11 =	simm.s32 $0x400;
	s12 =	simm.s32 $0x8000  }
0x6: {  	s13 =	simm.s32 $0x7;
	s14 =	simm.s32 $0x80;
	s15 =	simm.s32 $0xE400  }
0x7: {  	s16 =	simm.s32 $0x6400;
	s17 =	simm.s32 $0xE480;
	s18 =	simm.s32 $0x8400  }
0x8: {  	s19 =	simm.s32 $0xE500;
	s20 =	simm.s32 $0xA400;
	s21 =	simm.s32 $0xE580  }
0x9: {  	s28 =	simm.s32 $0x5;
	s29 =	simm.s32 $0x3;
	s30 =	simm.s32 $0x6  }
0xa: {  	s31 =	simm.s32 $0x4;
	s3 =	sand.u32 $0x1, s3;
	s4 =	sshll.u32 s4, $0xB  }
0xb: {  	[smem:$0x7FF] =	sst s6;
	s5 =	sshll.u32 s3, $0xA;
	s22 =	ssub.s32 $0x2, s3  }
0xc: {  	_ =	strace $0x80000047;
	s3 =	sadd.s32 $0x400, s0;
	s23 =	sor.u32 s5, s4  }
0xd: {  	s0 =	simm.s32 $0x0;
	s24 =	sshrl.u32 s22, $0x1;
	s5 =	sshrl.u32 s23, $0x3  }
0xe: {  	s25 =	ssub.s32 s22, s24;
	s22 =	simm.s32 $0xC400;
	s23 =	simm.s32 $0x1  }
0xf: {  	s24 =	simm.s32 $0xE600;
	s4 =	sadd.s32 s5, s2;
	s1 =	sadd.s32 s1, s5  }
0x10: {  	s10 =	smax.u32 s25, $0x1;
	s25 =	simm.s32 $0x2;
	[dreg:$0x4] =	wrdreg s1  }
0x11: {  	s26 =	sadd.s32 $0x620000, s4;
	s7 =	sadd.s32 $0x628000, s4;
	s8 =	sadd.s32 $0x630000, s4  }
0x12: {  	s9 =	sadd.s32 $0x638000, s4;
	[dreg:$0x5] =	wrdreg s26;
	s26 =	simm.s32 $0x10600  }
.LBB2_1:
0x13: {  	s1 =	simm.s32 $0x0;
	s2 =	rddreg [dreg:$0x4]  }
0x14: {  	[tilespmem:s1], [sflag:$0x7] =	stream.strided.gather [hbm4b:s2+s11], $0x6400, s12, s11, $0x38;
	[tilespmem:$0x12600] =	vst v63  }
0x15: {  	_ =	swait.ge [sflag:s13], $0x6400  }
0x16: {  	[sflag:s13] =	ssyncset.done $0x0  }
0x17: {  	[sflag:s13] =	ssyncadd.s32 $0xFFFF9C00  }
0x18: {  	v0 =	vld [tilespmem:$0x0]  }
0x19: {  	v1 =	vld [tilespmem:$0x10]  }
0x1a: {  	v2 =	vld [tilespmem:$0x20]  }
0x1b: {  	v3 =	vld [tilespmem:$0x30]  }
0x1c: {  	v5 =	vld [tilespmem:$0x40]  }
0x1d: {  	v7 =	vld [tilespmem:$0x50]  }
0x1e: {  	v4 =	vshll.u32 v0, $0x1  }
0x1f: {  	v16 =	vld [tilespmem:$0x70];
	v0 =	vshra.s32 v0, $0x13;
	v6 =	vshll.u32 v1, $0x1;
	v14 =	vshll.u32 v2, $0x1  }
0x20: {  	v1 =	vshra.s32 v1, $0x13;
	v2 =	vshra.s32 v2, $0x13;
	v15 =	vshll.u32 v3, $0x1  }
0x21: {  	v3 =	vshra.s32 v3, $0x13;
	v18 =	vshll.u32 v5, $0x1;
	v4 =	vand.u32 $0xFFFFE, v4  }
0x22: {  	v8 =	vld [tilespmem:$0x60];
	v20 =	vshll.u32 v7, $0x1;
	v13 =	vand.u32 $0xFFFFE, v6;
	v0 =	vor.u32 v0, v4  }
0x23: {  	v21 =	vshra.s32 v5, $0x13;
	v6 =	vand.u32 $0xFFFFE, v14;
	v1 =	vor.u32 v1, v13;
	[tilespmem:$0xE400] =	vst v0  }
0x24: {  	v28 =	vshll.u32 v16, $0x1;
	v19 =	vand.u32 $0xFFFFE, v18;
	v2 =	vor.u32 v2, v6;
	[tilespmem:$0xE410] =	vst v1  }
0x25: {  	v30 =	vshra.s32 v16, $0x13;
	v29 =	vand.u32 $0xFFFFE, v28;
	v23 =	vor.u32 v21, v19;
	[tilespmem:$0xE420] =	vst v2  }
0x26: {  	v22 =	vshra.s32 v7, $0x13;
	v17 =	vand.u32 $0xFFFFE, v15;
	v31 =	vor.u32 v30, v29;
	[tilespmem:$0xE440] =	vst v23  }
0x27: {  	v25 =	vshll.u32 v8, $0x1;
	v0 =	vor.u32 v3, v17;
	v3 =	vand.u32 $0xFFFFE, v20;
	[tilespmem:$0xE470] =	vst v31  }
0x28: {  	v27 =	vshra.s32 v8, $0x13;
	v26 =	vand.u32 $0xFFFFE, v25;
	[tilespmem:$0xE430] =	vst v0;
	v24 =	vor.u32 v22, v3  }
0x29: {  	v0 =	vor.u32 v27, v26;
	[tilespmem:$0xE450] =	vst v24  }
0x2a: {  	[tilespmem:$0xE460] =	vst v0  }
0x2b: {  	[tilespmem:s16], [sflag:$0x1] =	stream.indirect.gather [hbm4b:s3+s14], $0x40, s15, s14, $0xb8;
	[tilespmem:$0x12600] =	vst v63  }
0x2c: {  	v32 =	vld [tilespmem:$0x80]  }
0x2d: {  	v33 =	vld [tilespmem:$0x90]  }
0x2e: {  	v34 =	vld [tilespmem:$0xA0]  }
0x2f: {  	v35 =	vld [tilespmem:$0xB0]  }
0x30: {  	v37 =	vld [tilespmem:$0xC0]  }
0x31: {  	v39 =	vld [tilespmem:$0xD0]  }
0x32: {  	v36 =	vshll.u32 v32, $0x1  }
0x33: {  	v44 =	vld [tilespmem:$0xF0];
	v0 =	vshra.s32 v32, $0x13;
	v38 =	vshll.u32 v33, $0x1;
	v41 =	vshll.u32 v34, $0x1  }
0x34: {  	v1 =	vshra.s32 v33, $0x13;
	v2 =	vshra.s32 v34, $0x13;
	v43 =	vshll.u32 v35, $0x1  }
0x35: {  	v3 =	vshra.s32 v35, $0x13;
	v46 =	vshll.u32 v37, $0x1;
	v4 =	vand.u32 $0xFFFFE, v36  }
0x36: {  	v42 =	vld [tilespmem:$0xE0];
	v48 =	vshll.u32 v39, $0x1;
	v40 =	vand.u32 $0xFFFFE, v38;
	v0 =	vor.u32 v0, v4  }
0x37: {  	v49 =	vshra.s32 v37, $0x13;
	v6 =	vand.u32 $0xFFFFE, v41;
	v1 =	vor.u32 v1, v40;
	[tilespmem:$0xE480] =	vst v0  }
0x38: {  	v56 =	vshll.u32 v44, $0x1;
	v47 =	vand.u32 $0xFFFFE, v46;
	v2 =	vor.u32 v2, v6;
	[tilespmem:$0xE490] =	vst v1  }
0x39: {  	v58 =	vshra.s32 v44, $0x13;
	v57 =	vand.u32 $0xFFFFE, v56;
	v51 =	vor.u32 v49, v47;
	[tilespmem:$0xE4A0] =	vst v2  }
0x3a: {  	v50 =	vshra.s32 v39, $0x13;
	v45 =	vand.u32 $0xFFFFE, v43;
	v59 =	vor.u32 v58, v57;
	[tilespmem:$0xE4C0] =	vst v51  }
0x3b: {  	v53 =	vshll.u32 v42, $0x1;
	v0 =	vor.u32 v3, v45;
	v3 =	vand.u32 $0xFFFFE, v48;
	[tilespmem:$0xE4F0] =	vst v59  }
0x3c: {  	v55 =	vshra.s32 v42, $0x13;
	v54 =	vand.u32 $0xFFFFE, v53;
	[tilespmem:$0xE4B0] =	vst v0;
	v52 =	vor.u32 v50, v3  }
0x3d: {  	v0 =	vor.u32 v55, v54;
	[tilespmem:$0xE4D0] =	vst v52  }
0x3e: {  	[tilespmem:$0xE4E0] =	vst v0  }
0x3f: {  	[tilespmem:s18], [sflag:$0x2] =	stream.indirect.gather [hbm4b:s3+s14], $0x40, s17, s14, $0xb8;
	[tilespmem:$0x12600] =	vst v63  }
0x40: {  	v60 =	vld [tilespmem:$0x100]  }
0x41: {  	v61 =	vld [tilespmem:$0x110]  }
0x42: {  	v62 =	vld [tilespmem:$0x120]  }
0x43: {  	v63 =	vld [tilespmem:$0x130]  }
0x44: {  	v13 =	vld [tilespmem:$0x140]  }
0x45: {  	v15 =	vld [tilespmem:$0x150]  }
0x46: {  	v12 =	vshll.u32 v60, $0x1  }
0x47: {  	v20 =	vld [tilespmem:$0x170];
	v0 =	vshra.s32 v60, $0x13;
	v14 =	vshll.u32 v61, $0x1;
	v17 =	vshll.u32 v62, $0x1  }
0x48: {  	v1 =	vshra.s32 v61, $0x13;
	v2 =	vshra.s32 v62, $0x13;
	v19 =	vshll.u32 v63, $0x1  }
0x49: {  	v3 =	vshra.s32 v63, $0x13;
	v22 =	vshll.u32 v13, $0x1;
	v4 =	vand.u32 $0xFFFFE, v12  }
0x4a: {  	v18 =	vld [tilespmem:$0x160];
	v24 =	vshll.u32 v15, $0x1;
	v16 =	vand.u32 $0xFFFFE, v14;
	v0 =	vor.u32 v0, v4  }
0x4b: {  	v25 =	vshra.s32 v13, $0x13;
	v6 =	vand.u32 $0xFFFFE, v17;
	v1 =	vor.u32 v1, v16;
	[tilespmem:$0xE500] =	vst v0  }
0x4c: {  	v32 =	vshll.u32 v20, $0x1;
	v23 =	vand.u32 $0xFFFFE, v22;
	v2 =	vor.u32 v2, v6;
	[tilespmem:$0xE510] =	vst v1  }
0x4d: {  	v34 =	vshra.s32 v20, $0x13;
	v33 =	vand.u32 $0xFFFFE, v32;
	v27 =	vor.u32 v25, v23;
	[tilespmem:$0xE520] =	vst v2  }
0x4e: {  	v26 =	vshra.s32 v15, $0x13;
	v21 =	vand.u32 $0xFFFFE, v19;
	v35 =	vor.u32 v34, v33;
	[tilespmem:$0xE540] =	vst v27  }
0x4f: {  	v29 =	vshll.u32 v18, $0x1;
	v0 =	vor.u32 v3, v21;
	v3 =	vand.u32 $0xFFFFE, v24;
	[tilespmem:$0xE570] =	vst v35  }
0x50: {  	v31 =	vshra.s32 v18, $0x13;
	v30 =	vand.u32 $0xFFFFE, v29;
	[tilespmem:$0xE530] =	vst v0;
	v28 =	vor.u32 v26, v3  }
0x51: {  	v0 =	vor.u32 v31, v30;
	[tilespmem:$0xE550] =	vst v28  }
0x52: {  	[tilespmem:$0xE560] =	vst v0  }
0x53: {  	[tilespmem:s20], [sflag:$0x3] =	stream.indirect.gather [hbm4b:s3+s14], $0x40, s19, s14, $0xb8;
	[tilespmem:$0x12600] =	vst v63  }
0x54: {  	v36 =	vld [tilespmem:$0x180]  }
0x55: {  	v37 =	vld [tilespmem:$0x190]  }
0x56: {  	v38 =	vld [tilespmem:$0x1A0]  }
0x57: {  	v39 =	vld [tilespmem:$0x1B0]  }
0x58: {  	v41 =	vld [tilespmem:$0x1C0]  }
0x59: {  	v43 =	vld [tilespmem:$0x1D0]  }
0x5a: {  	v40 =	vshll.u32 v36, $0x1  }
0x5b: {  	v48 =	vld [tilespmem:$0x1F0];
	v0 =	vshra.s32 v36, $0x13;
	v42 =	vshll.u32 v37, $0x1;
	v45 =	vshll.u32 v38, $0x1  }
0x5c: {  	v1 =	vshra.s32 v37, $0x13;
	v2 =	vshra.s32 v38, $0x13;
	v47 =	vshll.u32 v39, $0x1  }
0x5d: {  	v3 =	vshra.s32 v39, $0x13;
	v50 =	vshll.u32 v41, $0x1;
	v4 =	vand.u32 $0xFFFFE, v40  }
0x5e: {  	v46 =	vld [tilespmem:$0x1E0];
	v52 =	vshll.u32 v43, $0x1;
	v44 =	vand.u32 $0xFFFFE, v42;
	v0 =	vor.u32 v0, v4  }
0x5f: {  	v53 =	vshra.s32 v41, $0x13;
	v6 =	vand.u32 $0xFFFFE, v45;
	v1 =	vor.u32 v1, v44;
	[tilespmem:$0xE580] =	vst v0  }
0x60: {  	v60 =	vshll.u32 v48, $0x1;
	v51 =	vand.u32 $0xFFFFE, v50;
	v2 =	vor.u32 v2, v6;
	[tilespmem:$0xE590] =	vst v1  }
0x61: {  	v62 =	vshra.s32 v48, $0x13;
	v61 =	vand.u32 $0xFFFFE, v60;
	v55 =	vor.u32 v53, v51;
	[tilespmem:$0xE5A0] =	vst v2  }
0x62: {  	v54 =	vshra.s32 v43, $0x13;
	v49 =	vand.u32 $0xFFFFE, v47;
	v63 =	vor.u32 v62, v61;
	[tilespmem:$0xE5C0] =	vst v55  }
0x63: {  	v57 =	vshll.u32 v46, $0x1;
	v0 =	vor.u32 v3, v49;
	v3 =	vand.u32 $0xFFFFE, v52;
	[tilespmem:$0xE5F0] =	vst v63  }
0x64: {  	v59 =	vshra.s32 v46, $0x13;
	v58 =	vand.u32 $0xFFFFE, v57;
	[tilespmem:$0xE5B0] =	vst v0;
	v56 =	vor.u32 v54, v3  }
0x65: {  	v0 =	vor.u32 v59, v58;
	[tilespmem:$0xE5D0] =	vst v56  }
0x66: {  	s1 =	simm.s32 $0x3F0;
	s2 =	simm.s32 $0x0;
	[tilespmem:$0xE5E0] =	vst v0  }
0x67: {  	[tilespmem:s22], [sflag:$0x4] =	stream.indirect.gather [hbm4b:s3+s14], $0x40, s21, s14, $0xb8;
	[tilespmem:$0x12600] =	vst v63  }
.LBB2_2:
0x68: {  	p0 =	seq.s32 s2, $0x0  }
0x69: {  	s5 =	simm.s32 @!p0 $0x5  }
0x6a: {  	_ =	swait.ge @!p0 [sflag:s5], $0x2000  }
0x6b: {  	[sflag:s5] =	ssyncset.done @!p0 $0x0  }
0x6c: {  	[sflag:s5] =	ssyncadd.s32 @!p0 $0xFFFFE000  }
0x6d: {  	_ =	swait.ge [sflag:s23], $0x2000  }
0x6e: {  	[sflag:s23] =	ssyncset.done $0x0  }
0x6f: {  	s5 =	sadd.s32 s2, s4;
	[sflag:s23] =	ssyncadd.s32 $0xFFFFE000  }
0x70: {  	[hbm4b:s5+s11] =	stream.strided.scatter [tilespmem:s24], [sflag:$0x5], $0x2000, s12, s11, $0x38;
	[tilespmem:$0x12600] =	vst v63  }
0x71: {  	v0 =	vld [tilespmem:s1+$0xFFFFFE10];
	_ =	sdelay $0x4  }
0x72: {  	v1 =	vshll.u32 v0, $0x1  }
0x73: {  	v0 =	vshra.s32 v0, $0x13;
	v1 =	vand.u32 $0xFFFFE, v1  }
0x74: {  	v0 =	vor.u32 v0, v1  }
0x75: {  	[tilespmem:$0xE400] =	vst v0  }
0x76: {  	v0 =	vld [tilespmem:s1+$0xFFFFFE20];
	_ =	sdelay $0x4  }
0x77: {  	v30 =	vshll.u32 v0, $0x1  }
0x78: {  	v0 =	vshra.s32 v0, $0x13;
	v1 =	vand.u32 $0xFFFFE, v30  }
0x79: {  	v0 =	vor.u32 v0, v1  }
0x7a: {  	[tilespmem:$0xE410] =	vst v0  }
0x7b: {  	v0 =	vld [tilespmem:s1+$0xFFFFFE30];
	_ =	sdelay $0x4  }
0x7c: {  	v31 =	vshll.u32 v0, $0x1  }
0x7d: {  	v0 =	vshra.s32 v0, $0x13;
	v1 =	vand.u32 $0xFFFFE, v31  }
0x7e: {  	v0 =	vor.u32 v0, v1  }
0x7f: {  	[tilespmem:$0xE420] =	vst v0  }
0x80: {  	v0 =	vld [tilespmem:s1+$0xFFFFFE40];
	_ =	sdelay $0x4  }
0x81: {  	v32 =	vshll.u32 v0, $0x1  }
0x82: {  	v0 =	vshra.s32 v0, $0x13;
	v1 =	vand.u32 $0xFFFFE, v32  }
0x83: {  	v0 =	vor.u32 v0, v1  }
0x84: {  	[tilespmem:$0xE430] =	vst v0  }
0x85: {  	v0 =	vld [tilespmem:s1+$0xFFFFFE50];
	_ =	sdelay $0x4  }
0x86: {  	v33 =	vshll.u32 v0, $0x1  }
0x87: {  	v0 =	vshra.s32 v0, $0x13;
	v1 =	vand.u32 $0xFFFFE, v33  }
0x88: {  	v0 =	vor.u32 v0, v1  }
0x89: {  	[tilespmem:$0xE440] =	vst v0  }
0x8a: {  	v0 =	vld [tilespmem:s1+$0xFFFFFE60];
	_ =	sdelay $0x4  }
0x8b: {  	v34 =	vshll.u32 v0, $0x1  }
0x8c: {  	v0 =	vshra.s32 v0, $0x13;
	v1 =	vand.u32 $0xFFFFE, v34  }
0x8d: {  	v0 =	vor.u32 v0, v1  }
0x8e: {  	[tilespmem:$0xE450] =	vst v0  }
0x8f: {  	v0 =	vld [tilespmem:s1+$0xFFFFFE70];
	_ =	sdelay $0x4  }
0x90: {  	v35 =	vshll.u32 v0, $0x1  }
0x91: {  	v0 =	vshra.s32 v0, $0x13;
	v1 =	vand.u32 $0xFFFFE, v35  }
0x92: {  	v0 =	vor.u32 v0, v1  }
0x93: {  	[tilespmem:$0xE460] =	vst v0  }
0x94: {  	v0 =	vld [tilespmem:s1+$0xFFFFFE80];
	_ =	sdelay $0x4  }
0x95: {  	v36 =	vshll.u32 v0, $0x1  }
0x96: {  	v0 =	vshra.s32 v0, $0x13;
	v1 =	vand.u32 $0xFFFFE, v36  }
0x97: {  	v0 =	vor.u32 v0, v1  }
0x98: {  	s6 =	simm.s32 @!p0 $0x6;
	[tilespmem:$0xE470] =	vst v0  }
0x99: {  	[tilespmem:s16], [sflag:$0x1] =	stream.indirect.gather [hbm4b:s3+s14], $0x40, s15, s14, $0xb8;
	[tilespmem:$0x12600] =	vst v63  }
0x9a: {  	_ =	swait.ge @!p0 [sflag:s6], $0x2000  }
0x9b: {  	[sflag:s6] =	ssyncset.done @!p0 $0x0  }
0x9c: {  	[sflag:s6] =	ssyncadd.s32 @!p0 $0xFFFFE000  }
0x9d: {  	_ =	swait.ge [sflag:s25], $0x2000  }
0x9e: {  	[sflag:s25] =	ssyncset.done $0x0  }
0x9f: {  	s6 =	sadd.s32 $0x8000, s5;
	[sflag:s25] =	ssyncadd.s32 $0xFFFFE000  }
0xa0: {  	[hbm4b:s6+s11] =	stream.strided.scatter [tilespmem:s26], [sflag:$0x6], $0x2000, s12, s11, $0x38;
	[tilespmem:$0x12600] =	vst v63  }
0xa1: {  	v37 =	vld [tilespmem:s1+$0xFFFFFE90];
	_ =	sdelay $0x4  }
0xa2: {  	v38 =	vshll.u32 v37, $0x1  }
0xa3: {  	v0 =	vshra.s32 v37, $0x13;
	v1 =	vand.u32 $0xFFFFE, v38  }
0xa4: {  	v0 =	vor.u32 v0, v1  }
0xa5: {  	[tilespmem:$0xE480] =	vst v0  }
0xa6: {  	v0 =	vld [tilespmem:s1+$0xFFFFFEA0];
	_ =	sdelay $0x4  }
0xa7: {  	v39 =	vshll.u32 v0, $0x1  }
0xa8: {  	v0 =	vshra.s32 v0, $0x13;
	v1 =	vand.u32 $0xFFFFE, v39  }
0xa9: {  	v0 =	vor.u32 v0, v1  }
0xaa: {  	[tilespmem:$0xE490] =	vst v0  }
0xab: {  	v0 =	vld [tilespmem:s1+$0xFFFFFEB0];
	_ =	sdelay $0x4  }
0xac: {  	v40 =	vshll.u32 v0, $0x1  }
0xad: {  	v0 =	vshra.s32 v0, $0x13;
	v1 =	vand.u32 $0xFFFFE, v40  }
0xae: {  	v0 =	vor.u32 v0, v1  }
0xaf: {  	[tilespmem:$0xE4A0] =	vst v0  }
0xb0: {  	v0 =	vld [tilespmem:s1+$0xFFFFFEC0];
	_ =	sdelay $0x4  }
0xb1: {  	v41 =	vshll.u32 v0, $0x1  }
0xb2: {  	v0 =	vshra.s32 v0, $0x13;
	v1 =	vand.u32 $0xFFFFE, v41  }
0xb3: {  	v0 =	vor.u32 v0, v1  }
0xb4: {  	[tilespmem:$0xE4B0] =	vst v0  }
0xb5: {  	v0 =	vld [tilespmem:s1+$0xFFFFFED0];
	_ =	sdelay $0x4  }
0xb6: {  	v42 =	vshll.u32 v0, $0x1  }
0xb7: {  	v0 =	vshra.s32 v0, $0x13;
	v1 =	vand.u32 $0xFFFFE, v42  }
0xb8: {  	v0 =	vor.u32 v0, v1  }
0xb9: {  	[tilespmem:$0xE4C0] =	vst v0  }
0xba: {  	v0 =	vld [tilespmem:s1+$0xFFFFFEE0];
	_ =	sdelay $0x4  }
0xbb: {  	v43 =	vshll.u32 v0, $0x1  }
0xbc: {  	v0 =	vshra.s32 v0, $0x13;
	v1 =	vand.u32 $0xFFFFE, v43  }
0xbd: {  	v0 =	vor.u32 v0, v1  }
0xbe: {  	[tilespmem:$0xE4D0] =	vst v0  }
0xbf: {  	v0 =	vld [tilespmem:s1+$0xFFFFFEF0];
	_ =	sdelay $0x4  }
0xc0: {  	v44 =	vshll.u32 v0, $0x1  }
0xc1: {  	v0 =	vshra.s32 v0, $0x13;
	v1 =	vand.u32 $0xFFFFE, v44  }
0xc2: {  	v0 =	vor.u32 v0, v1  }
0xc3: {  	[tilespmem:$0xE4E0] =	vst v0  }
0xc4: {  	v0 =	vld [tilespmem:s1+$0xFFFFFF00];
	_ =	sdelay $0x4  }
0xc5: {  	v45 =	vshll.u32 v0, $0x1  }
0xc6: {  	v0 =	vshra.s32 v0, $0x13;
	v1 =	vand.u32 $0xFFFFE, v45  }
0xc7: {  	v0 =	vor.u32 v0, v1  }
0xc8: {  	[tilespmem:$0xE4F0] =	vst v0  }
0xc9: {  	[tilespmem:s18], [sflag:$0x2] =	stream.indirect.gather [hbm4b:s3+s14], $0x40, s17, s14, $0xb8;
	[tilespmem:$0x12600] =	vst v63  }
0xca: {  	_ =	swait.ge [sflag:s28], $0x2000  }
0xcb: {  	[sflag:s28] =	ssyncset.done $0x0  }
0xcc: {  	[sflag:s28] =	ssyncadd.s32 $0xFFFFE000  }
0xcd: {  	_ =	swait.ge [sflag:s29], $0x2000  }
0xce: {  	[sflag:s29] =	ssyncset.done $0x0  }
0xcf: {  	s6 =	sadd.s32 $0x10000, s5;
	[sflag:s29] =	ssyncadd.s32 $0xFFFFE000  }
0xd0: {  	[hbm4b:s6+s11] =	stream.strided.scatter [tilespmem:s24], [sflag:$0x5], $0x2000, s12, s11, $0x38;
	[tilespmem:$0x12600] =	vst v63  }
0xd1: {  	v46 =	vld [tilespmem:s1+$0xFFFFFF10];
	_ =	sdelay $0x4  }
0xd2: {  	v47 =	vshll.u32 v46, $0x1  }
0xd3: {  	v0 =	vshra.s32 v46, $0x13;
	v1 =	vand.u32 $0xFFFFE, v47  }
0xd4: {  	v0 =	vor.u32 v0, v1  }
0xd5: {  	[tilespmem:$0xE500] =	vst v0  }
0xd6: {  	v0 =	vld [tilespmem:s1+$0xFFFFFF20];
	_ =	sdelay $0x4  }
0xd7: {  	v48 =	vshll.u32 v0, $0x1  }
0xd8: {  	v0 =	vshra.s32 v0, $0x13;
	v1 =	vand.u32 $0xFFFFE, v48  }
0xd9: {  	v0 =	vor.u32 v0, v1  }
0xda: {  	[tilespmem:$0xE510] =	vst v0  }
0xdb: {  	v0 =	vld [tilespmem:s1+$0xFFFFFF30];
	_ =	sdelay $0x4  }
0xdc: {  	v49 =	vshll.u32 v0, $0x1  }
0xdd: {  	v0 =	vshra.s32 v0, $0x13;
	v1 =	vand.u32 $0xFFFFE, v49  }
0xde: {  	v0 =	vor.u32 v0, v1  }
0xdf: {  	[tilespmem:$0xE520] =	vst v0  }
0xe0: {  	v0 =	vld [tilespmem:s1+$0xFFFFFF40];
	_ =	sdelay $0x4  }
0xe1: {  	v50 =	vshll.u32 v0, $0x1  }
0xe2: {  	v0 =	vshra.s32 v0, $0x13;
	v1 =	vand.u32 $0xFFFFE, v50  }
0xe3: {  	v0 =	vor.u32 v0, v1  }
0xe4: {  	[tilespmem:$0xE530] =	vst v0  }
0xe5: {  	v0 =	vld [tilespmem:s1+$0xFFFFFF50];
	_ =	sdelay $0x4  }
0xe6: {  	v51 =	vshll.u32 v0, $0x1  }
0xe7: {  	v0 =	vshra.s32 v0, $0x13;
	v1 =	vand.u32 $0xFFFFE, v51  }
0xe8: {  	v0 =	vor.u32 v0, v1  }
0xe9: {  	[tilespmem:$0xE540] =	vst v0  }
0xea: {  	v0 =	vld [tilespmem:s1+$0xFFFFFF60];
	_ =	sdelay $0x4  }
0xeb: {  	v52 =	vshll.u32 v0, $0x1  }
0xec: {  	v0 =	vshra.s32 v0, $0x13;
	v1 =	vand.u32 $0xFFFFE, v52  }
0xed: {  	v0 =	vor.u32 v0, v1  }
0xee: {  	[tilespmem:$0xE550] =	vst v0  }
0xef: {  	v0 =	vld [tilespmem:s1+$0xFFFFFF70];
	_ =	sdelay $0x4  }
0xf0: {  	v53 =	vshll.u32 v0, $0x1  }
0xf1: {  	v0 =	vshra.s32 v0, $0x13;
	v1 =	vand.u32 $0xFFFFE, v53  }
0xf2: {  	v0 =	vor.u32 v0, v1  }
0xf3: {  	[tilespmem:$0xE560] =	vst v0  }
0xf4: {  	v0 =	vld [tilespmem:s1+$0xFFFFFF80];
	_ =	sdelay $0x4  }
0xf5: {  	v54 =	vshll.u32 v0, $0x1  }
0xf6: {  	v0 =	vshra.s32 v0, $0x13;
	v1 =	vand.u32 $0xFFFFE, v54  }
0xf7: {  	v0 =	vor.u32 v0, v1  }
0xf8: {  	[tilespmem:$0xE570] =	vst v0  }
0xf9: {  	[tilespmem:s20], [sflag:$0x3] =	stream.indirect.gather [hbm4b:s3+s14], $0x40, s19, s14, $0xb8;
	[tilespmem:$0x12600] =	vst v63  }
0xfa: {  	_ =	swait.ge [sflag:s30], $0x2000  }
0xfb: {  	[sflag:s30] =	ssyncset.done $0x0  }
0xfc: {  	[sflag:s30] =	ssyncadd.s32 $0xFFFFE000  }
0xfd: {  	_ =	swait.ge [sflag:s31], $0x2000  }
0xfe: {  	[sflag:s31] =	ssyncset.done $0x0  }
0xff: {  	s5 =	sadd.s32 $0x18000, s5;
	[sflag:s31] =	ssyncadd.s32 $0xFFFFE000  }
0x100: {  	[hbm4b:s5+s11] =	stream.strided.scatter [tilespmem:s26], [sflag:$0x6], $0x2000, s12, s11, $0x38;
	[tilespmem:$0x12600] =	vst v63  }
0x101: {  	v55 =	vld [tilespmem:s1+$0xFFFFFF90];
	_ =	sdelay $0x4  }
0x102: {  	v56 =	vshll.u32 v55, $0x1  }
0x103: {  	v0 =	vshra.s32 v55, $0x13;
	v1 =	vand.u32 $0xFFFFE, v56  }
0x104: {  	v0 =	vor.u32 v0, v1  }
0x105: {  	[tilespmem:$0xE580] =	vst v0  }
0x106: {  	v0 =	vld [tilespmem:s1+$0xFFFFFFA0];
	_ =	sdelay $0x4  }
0x107: {  	v57 =	vshll.u32 v0, $0x1  }
0x108: {  	v0 =	vshra.s32 v0, $0x13;
	v1 =	vand.u32 $0xFFFFE, v57  }
0x109: {  	v0 =	vor.u32 v0, v1  }
0x10a: {  	[tilespmem:$0xE590] =	vst v0  }
0x10b: {  	v0 =	vld [tilespmem:s1+$0xFFFFFFB0];
	_ =	sdelay $0x4  }
0x10c: {  	v58 =	vshll.u32 v0, $0x1  }
0x10d: {  	v0 =	vshra.s32 v0, $0x13;
	v1 =	vand.u32 $0xFFFFE, v58  }
0x10e: {  	v0 =	vor.u32 v0, v1  }
0x10f: {  	[tilespmem:$0xE5A0] =	vst v0  }
0x110: {  	v0 =	vld [tilespmem:s1+$0xFFFFFFC0];
	_ =	sdelay $0x4  }
0x111: {  	v59 =	vshll.u32 v0, $0x1  }
0x112: {  	v0 =	vshra.s32 v0, $0x13;
	v1 =	vand.u32 $0xFFFFE, v59  }
0x113: {  	v0 =	vor.u32 v0, v1  }
0x114: {  	[tilespmem:$0xE5B0] =	vst v0  }
0x115: {  	v0 =	vld [tilespmem:s1+$0xFFFFFFD0];
	_ =	sdelay $0x4  }
0x116: {  	v60 =	vshll.u32 v0, $0x1  }
0x117: {  	v0 =	vshra.s32 v0, $0x13;
	v1 =	vand.u32 $0xFFFFE, v60  }
0x118: {  	v0 =	vor.u32 v0, v1  }
0x119: {  	[tilespmem:$0xE5C0] =	vst v0  }
0x11a: {  	v0 =	vld [tilespmem:s1+$0xFFFFFFE0];
	_ =	sdelay $0x4  }
0x11b: {  	v61 =	vshll.u32 v0, $0x1  }
0x11c: {  	v0 =	vshra.s32 v0, $0x13;
	v1 =	vand.u32 $0xFFFFE, v61  }
0x11d: {  	v0 =	vor.u32 v0, v1  }
0x11e: {  	[tilespmem:$0xE5D0] =	vst v0  }
0x11f: {  	v0 =	vld [tilespmem:s1+$0xFFFFFFF0];
	_ =	sdelay $0x4  }
0x120: {  	v62 =	vshll.u32 v0, $0x1  }
0x121: {  	v0 =	vshra.s32 v0, $0x13;
	v1 =	vand.u32 $0xFFFFE, v62  }
0x122: {  	v0 =	vor.u32 v0, v1  }
0x123: {  	[tilespmem:$0xE5E0] =	vst v0  }
0x124: {  	v0 =	vld [tilespmem:s1+$0x0];
	_ =	sdelay $0x2  }
0x125: {  	s2 =	sadd.s32 $0x20000, s2  }
0x126: {  	p0 =	sne.s32 s2, $0x620000  }
.Ltmp0:
0x127: {  	v63 =	vshll.u32 v0, $0x1;
	(pc) =	sbr.rel @p0 .LBB2_2-.Ltmp0, $4  }
0x128: {  	v0 =	vshra.s32 v0, $0x13;
	v1 =	vand.u32 $0xFFFFE, v63  }
0x129: {  	v0 =	vor.u32 v0, v1  }
0x12a: {  	s1 =	sadd.s32 $0x200, s1;
	[tilespmem:$0xE5F0] =	vst v0  }
0x12b: {  	[tilespmem:s22], [sflag:$0x4] =	stream.indirect.gather [hbm4b:s3+s14], $0x40, s21, s14, $0xb8;
	[tilespmem:$0x12600] =	vst v63  }
0x12c: {  	_ =	swait.ge [sflag:s28], $0x2000  }
0x12d: {  	[sflag:s28] =	ssyncset.done $0x0  }
0x12e: {  	[sflag:s28] =	ssyncadd.s32 $0xFFFFE000  }
0x12f: {  	_ =	swait.ge [sflag:s23], $0x2000  }
0x130: {  	[sflag:s23] =	ssyncset.done $0x0  }
0x131: {  	s1 =	rddreg [dreg:$0x5];
	[sflag:s23] =	ssyncadd.s32 $0xFFFFE000  }
0x132: {  	[hbm4b:s1+s11] =	stream.strided.scatter [tilespmem:s24], [sflag:$0x5], $0x2000, s12, s11, $0x38;
	[tilespmem:$0x12600] =	vst v63  }
0x133: {  	_ =	swait.ge [sflag:s30], $0x2000  }
0x134: {  	[sflag:s30] =	ssyncset.done $0x0  }
0x135: {  	[sflag:s30] =	ssyncadd.s32 $0xFFFFE000  }
0x136: {  	_ =	swait.ge [sflag:s25], $0x2000  }
0x137: {  	[sflag:s25] =	ssyncset.done $0x0  }
0x138: {  	[sflag:s25] =	ssyncadd.s32 $0xFFFFE000  }
0x139: {  	[hbm4b:s7+s11] =	stream.strided.scatter [tilespmem:s26], [sflag:$0x6], $0x2000, s12, s11, $0x38;
	[tilespmem:$0x12600] =	vst v63  }
0x13a: {  	_ =	swait.ge [sflag:s28], $0x2000  }
0x13b: {  	[sflag:s28] =	ssyncset.done $0x0  }
0x13c: {  	[sflag:s28] =	ssyncadd.s32 $0xFFFFE000  }
0x13d: {  	_ =	swait.ge [sflag:s29], $0x2000  }
0x13e: {  	[sflag:s29] =	ssyncset.done $0x0  }
0x13f: {  	[sflag:s29] =	ssyncadd.s32 $0xFFFFE000  }
0x140: {  	[hbm4b:s8+s11] =	stream.strided.scatter [tilespmem:s24], [sflag:$0x5], $0x2000, s12, s11, $0x38;
	[tilespmem:$0x12600] =	vst v63  }
0x141: {  	_ =	swait.ge [sflag:s30], $0x2000  }
0x142: {  	[sflag:s30] =	ssyncset.done $0x0  }
0x143: {  	[sflag:s30] =	ssyncadd.s32 $0xFFFFE000  }
0x144: {  	_ =	swait.ge [sflag:s31], $0x2000  }
0x145: {  	[sflag:s31] =	ssyncset.done $0x0  }
0x146: {  	s0 =	sadd.s32 $0x1, s0;
	[sflag:s31] =	ssyncadd.s32 $0xFFFFE000  }
0x147: {  	[hbm4b:s9+s11] =	stream.strided.scatter [tilespmem:s26], [sflag:$0x6], $0x2000, s12, s11, $0x38;
	[tilespmem:$0x12600] =	vst v63  }
0x148: {  	p0 =	sne.s32 s0, s10;
	_ =	swait.ge [sflag:s28], $0x2000  }
.Ltmp1:
0x149: {  	[sflag:s28] =	ssyncset.done $0x0;
	(pc) =	sbr.rel @p0 .LBB2_1-.Ltmp1, $4  }
0x14a: {  	[sflag:s28] =	ssyncadd.s32 $0xFFFFE000  }
0x14b: {  	_ =	swait.ge [sflag:s30], $0x2000  }
0x14c: {  	[sflag:s30] =	ssyncset.done $0x0  }
0x14d: {  	[sflag:s30] =	ssyncadd.s32 $0xFFFFE000  }
0x14e: {  	_ =	sfence.sel $0x180000  }
0x14f: {  	[bflag:$0x0] =	sbarrier.arrive $0xFFFF  }
0x150: {  	_ =	strace $0x90000047  }
0x151: {  	s0 =	stileid.u32;
	[bflag:$0x2] =	sbarrier.arrive $0xFFFF  }
0x152: {  	p0 =	sne.s32 s0, $0x0;
	s0 =	rddreg [dreg:$0x3]  }
0x153: {  	s0 =	sadd.s32 @!p0 $0x100000, s0  }
0x154: {  	[sflag:s0] =	ssyncadd.tile.s32 @!p0 $0x1;
	_ =	shalt  }
.Lfunc_end2:
_tile_overlayer_lowered:
.L_overlay_start_2:
0x155: {  	(tag) =	ssettag $0x2  }
0x156: {  	s0 =	rddreg [dreg:$0x0];
	s2 =	stileid.u32  }
0x157: {  	s1 =	rddreg [dreg:$0x1];
	p0 =	sne.s32 s2, $0x0  }
0x158: {  	s3 =	rddreg [dreg:$0x2];
	[bflag:$0x3] =	sbarrier.arrive $0xFFFF;
	s2 =	simm.s32 @!p0 $0x1C07  }
0x159: {  	[timem:s3], [sflag:s2] =	dma.local @!p0 [hbm:s0], s1  }
0x15a: {  	s0 =	simm.s32 @!p0 $0x7  }
0x15b: {  	_ =	swait.ge @!p0 [sflag:s0], s1  }
0x15c: {  	s1 =	ssub.s32 @!p0 $0x0, s1;
	[sflag:s0] =	ssyncset.done @!p0 $0x0  }
0x15d: {  	[sflag:s0] =	ssyncadd.s32 @!p0 s1  }
0x15e: {  	[bflag:$0x3] =	sbarrier.arrive $0xFFFF  }
0x15f: {  	_ =	shalt  }

</sc_bundles>
